<compile_context>
chip_gen: v7x
topology: tpu7x:2x2x1
jax: 0.10.2.dev20260603
libtpu: 0.0.44.dev20260713+nightly
codegen_flags: <defaults>
</compile_context>

<pallas_src>
import functools

import jax
import jax.numpy as jnp
from jax.experimental import pallas as pl
from jax.experimental.pallas import tpu as pltpu
from jax.experimental.pallas import tpu_sc as plsc

DIM = 768
NE = 64
TOPK = 2
MI = 256
SI = 512
T = 2048
BLK = 128
G = (T * TOPK) // BLK + NE
NS = G * BLK
TB = 256


_SC_NC = 2
_SC_NS = 16
_SC_NW = _SC_NC * _SC_NS
_SC_CHUNK = 128


def _sc_take(table, idx):
    b, d = idx.shape[0], table.shape[1]
    bpw = b // _SC_NW
    nchunk = -(-bpw // _SC_CHUNK)
    csz = min(bpw, _SC_CHUNK)
    mesh = plsc.VectorSubcoreMesh(core_axis_name="c", subcore_axis_name="s")

    @functools.partial(
        pl.kernel, mesh=mesh,
        out_type=jax.ShapeDtypeStruct((b, d), table.dtype),
        scratch_types=[
            pltpu.VMEM((csz,), jnp.int32),
            pltpu.VMEM((csz, d), table.dtype),
            pltpu.SemaphoreType.DMA,
        ],
    )
    def k(table_hbm, idx_hbm, out_hbm, idx_v, rows_v, sem):
        wid = jax.lax.axis_index("s") * _SC_NC + jax.lax.axis_index("c")
        base = wid * bpw
        for c in range(nchunk):
            off = base + c * csz
            pltpu.sync_copy(idx_hbm.at[pl.ds(off, csz)], idx_v)
            pltpu.async_copy(table_hbm.at[idx_v], rows_v, sem).wait()
            pltpu.sync_copy(rows_v, out_hbm.at[pl.ds(off, csz)])

    return k(table, idx)


def _gate_kernel(x_ref, wg_ref, w_ref, i_ref):
    s = jax.lax.dot_general(x_ref[...].astype(jnp.bfloat16),
                            wg_ref[...].astype(jnp.bfloat16),
                            (((1,), (0,)), ((), ())),
                            preferred_element_type=jnp.float32)
    s = s - jnp.max(s, axis=-1, keepdims=True)
    e = jnp.exp(s)
    p = e / jnp.sum(e, axis=-1, keepdims=True)
    lane = jax.lax.broadcasted_iota(jnp.int32, p.shape, 1)
    m1 = jnp.max(p, axis=-1, keepdims=True)
    i1 = jnp.min(jnp.where(p == m1, lane, NE), axis=-1, keepdims=True)
    p2 = jnp.where(lane == i1, -jnp.inf, p)
    m2 = jnp.max(p2, axis=-1, keepdims=True)
    i2 = jnp.min(jnp.where(p2 == m2, lane, NE), axis=-1, keepdims=True)
    w_ref[...] = jnp.concatenate([m1, m2], axis=1)
    i_ref[...] = jnp.concatenate([i1, i2], axis=1)


def _ffn_kernel(meta_ref, xs_ref, w1_ref, w3_ref, w2_ref, ys_ref):
    g = pl.program_id(0)

    @pl.when(g < meta_ref[G])
    def _():
        xb = xs_ref[...].astype(jnp.bfloat16)
        w1 = w1_ref[0].astype(jnp.bfloat16)
        w3 = w3_ref[0].astype(jnp.bfloat16)
        h1 = jax.lax.dot_general(xb, w1, (((1,), (1,)), ((), ())),
                                 preferred_element_type=jnp.float32)
        h3 = jax.lax.dot_general(xb, w3, (((1,), (1,)), ((), ())),
                                 preferred_element_type=jnp.float32)
        h = ((h1 * jax.nn.sigmoid(h1)) * h3).astype(jnp.bfloat16)
        w2 = w2_ref[0].astype(jnp.bfloat16)
        y = jax.lax.dot_general(h, w2, (((1,), (1,)), ((), ())),
                                preferred_element_type=jnp.float32)
        ys_ref[...] = y


def _shared_kernel(x_ref, ws1_ref, ws3_ref, ws2_ref, g0_ref, g1_ref, w_ref,
                   o_ref):
    xb = x_ref[...].astype(jnp.bfloat16)
    ws1 = ws1_ref[...].astype(jnp.bfloat16)
    ws3 = ws3_ref[...].astype(jnp.bfloat16)
    u1 = jax.lax.dot_general(xb, ws1, (((1,), (1,)), ((), ())),
                             preferred_element_type=jnp.float32)
    u3 = jax.lax.dot_general(xb, ws3, (((1,), (1,)), ((), ())),
                             preferred_element_type=jnp.float32)
    u = ((u1 * jax.nn.sigmoid(u1)) * u3).astype(jnp.bfloat16)
    ws2 = ws2_ref[...].astype(jnp.bfloat16)
    z = jax.lax.dot_general(u, ws2, (((1,), (1,)), ((), ())),
                            preferred_element_type=jnp.float32)
    wv = w_ref[...]
    o_ref[...] = z + wv[:, :1] * g0_ref[...] + wv[:, 1:2] * g1_ref[...]


def kernel(x, Wg, W1, W2, W3, Ws1, Ws2, Ws3):
    shape = x.shape
    xf = x.reshape(T, DIM)

    w, idx = pl.pallas_call(
        _gate_kernel,
        out_shape=(jax.ShapeDtypeStruct((T, TOPK), jnp.float32),
                   jax.ShapeDtypeStruct((T, TOPK), jnp.int32)),
    )(xf, Wg)

    e_pair = idx.T.reshape(-1)
    tok_pair = jnp.tile(jnp.arange(T, dtype=jnp.int32), TOPK)
    oh = jax.nn.one_hot(e_pair, NE, dtype=jnp.int32)
    csum = jnp.cumsum(oh, axis=0)
    rank = jnp.sum(oh * csum, axis=1) - 1
    counts = csum[-1]
    blocks_e = (counts + BLK - 1) // BLK
    cblocks = jnp.cumsum(blocks_e)
    total_blocks = cblocks[-1]
    pstart = (jnp.concatenate([jnp.zeros(1, jnp.int32),
                               cblocks[:-1].astype(jnp.int32)]) * BLK)
    gidx = jnp.arange(G, dtype=jnp.int32)
    block_eid = jnp.searchsorted(cblocks, gidx, side='right').astype(jnp.int32)
    last_eid = block_eid[jnp.maximum(total_blocks - 1, 0)]
    block_eid = jnp.where(gidx < total_blocks, block_eid, last_eid)
    meta = jnp.concatenate([block_eid,
                            total_blocks.astype(jnp.int32)[None]])

    pos_pair = pstart[e_pair] + rank
    gather_tok = (jnp.arange(NS, dtype=jnp.int32) % T).at[pos_pair].set(tok_pair)

    xs = _sc_take(xf, gather_tok)
    grid_spec = pltpu.PrefetchScalarGridSpec(
        num_scalar_prefetch=1,
        grid=(G,),
        in_specs=[
            pl.BlockSpec((BLK, DIM), lambda g, m: (g, 0)),
            pl.BlockSpec((1, MI, DIM), lambda g, m: (m[g], 0, 0)),
            pl.BlockSpec((1, MI, DIM), lambda g, m: (m[g], 0, 0)),
            pl.BlockSpec((1, DIM, MI), lambda g, m: (m[g], 0, 0)),
        ],
        out_specs=pl.BlockSpec((BLK, DIM), lambda g, m: (g, 0)),
    )
    ys = pl.pallas_call(
        _ffn_kernel,
        grid_spec=grid_spec,
        out_shape=jax.ShapeDtypeStruct((NS, DIM), jnp.float32),
    )(meta, xs, W1, W3, W2)

    g01 = _sc_take(ys, pos_pair)
    out = pl.pallas_call(
        _shared_kernel,
        grid=(T // TB,),
        in_specs=[
            pl.BlockSpec((TB, DIM), lambda i: (i, 0)),
            pl.BlockSpec((SI, DIM), lambda i: (0, 0)),
            pl.BlockSpec((SI, DIM), lambda i: (0, 0)),
            pl.BlockSpec((DIM, SI), lambda i: (0, 0)),
            pl.BlockSpec((TB, DIM), lambda i: (i, 0)),
            pl.BlockSpec((TB, DIM), lambda i: (i + T // TB, 0)),
            pl.BlockSpec((TB, TOPK), lambda i: (i, 0)),
        ],
        out_specs=pl.BlockSpec((TB, DIM), lambda i: (i, 0)),
        out_shape=jax.ShapeDtypeStruct((T, DIM), jnp.float32),
    )(xf, Ws1, Ws3, Ws2, g01, g01, w)

    return out.reshape(shape)

# --- scband reference (transcript-rebuilt; emitter-appended) ---
"""Pipeline reference for scband-mo-e-81209241633272 (READ-ONLY COPY).

The authoritative reference and input builder live on the scoring server;
editing this copy changes nothing except your own understanding.
"""

import jax, jax.numpy as jnp
import numpy as np

DIM = 768
N_EXPERTS = 64
TOP_K = 2
MOE_INTER = 256
SHARED_INTER = 512  # n_shared_experts * moe_inter_dim
B, S = 1, 2048


def setup_inputs(seed: int = 0) -> dict:
    key = jax.random.key(seed)
    ks = jax.random.split(key, 9)
    x = jax.random.normal(ks[0], (B, S, DIM), dtype=jnp.float32)
    Wg = jax.random.normal(ks[1], (DIM, N_EXPERTS), dtype=jnp.float32) * 0.02
    W1 = jax.random.normal(ks[2], (N_EXPERTS, MOE_INTER, DIM), dtype=jnp.float32) * 0.02
    W3 = jax.random.normal(ks[3], (N_EXPERTS, MOE_INTER, DIM), dtype=jnp.float32) * 0.02
    W2 = jax.random.normal(ks[4], (N_EXPERTS, DIM, MOE_INTER), dtype=jnp.float32) * 0.02
    Ws1 = jax.random.normal(ks[5], (SHARED_INTER, DIM), dtype=jnp.float32) * 0.02
    Ws3 = jax.random.normal(ks[6], (SHARED_INTER, DIM), dtype=jnp.float32) * 0.02
    Ws2 = jax.random.normal(ks[7], (DIM, SHARED_INTER), dtype=jnp.float32) * 0.02
    return {"x": x, "Wg": Wg, "W1": W1, "W2": W2, "W3": W3, "Ws1": Ws1, "Ws2": Ws2, "Ws3": Ws3}


def reference(x, Wg, W1, W2, W3, Ws1, Ws2, Ws3):
    shape = x.shape
    xf = x.reshape(-1, DIM)
    # gate: softmax scores -> top-k weights/indices (DeepSeek-style)
    scores = jax.nn.softmax(xf @ Wg, axis=-1)
    weights, indices = jax.lax.top_k(scores, TOP_K)  # [T, K]
    # combine top-k gate weights into per-(token, expert) gate matrix
    gates = (jax.nn.one_hot(indices, N_EXPERTS, dtype=xf.dtype) * weights[..., None]).sum(axis=1)  # [T, E]
    # routed experts: SwiGLU expert e applied where gates[t, e] > 0.
    # Dense masked formulation is mathematically identical to the torch gather/scatter loop
    # (y[idx] += expert(x[idx]) * weights[idx, top]).
    h = jax.nn.silu(jnp.einsum('td,efd->tef', xf, W1)) * jnp.einsum('td,efd->tef', xf, W3)  # [T, E, F]
    y = jnp.einsum('tef,edf,te->td', h, W2, gates)  # [T, D]
    # shared experts (always-on SwiGLU MLP)
    z = (jax.nn.silu(xf @ Ws1.T) * (xf @ Ws3.T)) @ Ws2.T
    # dist.all_reduce(y) is identity in single-process reference
    return (y + z).reshape(shape)

if __name__ == "__main__":
    import jax
    _d = setup_inputs()
    print(jax.jit(kernel)(*tuple(_d.values())))

</pallas_src>

<mosaic_0001>
#map = affine_map<(d0, d1) -> (0, 0)>
#map1 = affine_map<(d0, d1) -> (0)>
module attributes {stable_mosaic.version = 14 : i64} {
  func.func @k(%arg0: i32, %arg1: i32, %arg2: memref<12288x768xf32, #tpu.memory_space<hbm>>, %arg3: memref<4096xi32, #tpu.memory_space<hbm>>, %arg4: memref<4096x768xf32, #tpu.memory_space<hbm>>, %arg5: memref<128xi32, #tpu.memory_space<vmem>>, %arg6: memref<128x768xf32, #tpu.memory_space<vmem>>, %arg7: memref<!tpu.dma_semaphore, #tpu.memory_space<semaphore_mem>>) attributes {dimension_semantics = [#tpu.dimension_semantics<core_parallel>, #tpu.dimension_semantics<subcore_parallel>], iteration_bounds = array<i64: 2, 16>, scalar_prefetch = 0 : i64, scratch_operands = 3 : i64, tpu.core_type = #tpu.core_type<sc_vector_subcore>, window_params = [{transform_indices = #map}, {transform_indices = #map1}, {transform_indices = #map}]} {
    %mul3A = arith.constant 2 : i32
    %mul3A_0 = arith.muli %arg1, %mul3A : i32
    %add3A = arith.addi %mul3A_0, %arg0 : i32
    %mul3A_1 = arith.constant 128 : i32
    %mul3A_2 = arith.muli %add3A, %mul3A_1 : i32
    %add3A_3 = arith.constant 0 : i32
    %add3A_4 = arith.addi %mul3A_2, %add3A_3 : i32
    "tpu.region"() ({
      %run_scoped3A = tpu.sem_alloc : memref<!tpu.dma_semaphore, #tpu.memory_space<semaphore_mem>>
      %dma_start3A_9 = tpu.memref_slice %arg3[%add3A_4] : memref<4096xi32, #tpu.memory_space<hbm>> -> memref<128xi32, #tpu.memory_space<hbm>>
      %dma_start3A_10 = tpu.memref_slice %arg3[%add3A_4] : memref<4096xi32, #tpu.memory_space<hbm>> -> memref<128xi32, #tpu.memory_space<hbm>>
      tpu.enqueue_dma source(%dma_start3A_10 : memref<128xi32, #tpu.memory_space<hbm>>) target(%arg5 : memref<128xi32, #tpu.memory_space<vmem>>) target_semaphore(%run_scoped3A : memref<!tpu.dma_semaphore, #tpu.memory_space<semaphore_mem>>)
      %dma_wait3A_11 = tpu.memref_slice %arg3[%add3A_4] : memref<4096xi32, #tpu.memory_space<hbm>> -> memref<128xi32, #tpu.memory_space<hbm>>
      %dma_wait3A_12 = tpu.memref_slice %arg3[%add3A_4] : memref<4096xi32, #tpu.memory_space<hbm>> -> memref<128xi32, #tpu.memory_space<hbm>>
      tpu.wait_dma2 semaphore(%run_scoped3A : memref<!tpu.dma_semaphore, #tpu.memory_space<semaphore_mem>>) src(%dma_wait3A_12 : memref<128xi32, #tpu.memory_space<hbm>>) dst(%arg5 : memref<128xi32, #tpu.memory_space<vmem>>)
      tpu.yield
    }) : () -> ()
    %dma_start3A = arith.constant 0 : i32
    %dma_start3A_5 = arith.constant 0 : i32
    %dma_start3A_6 = tpu.memref_slice %arg2[%dma_start3A, %dma_start3A_5] : memref<12288x768xf32, #tpu.memory_space<hbm>> -> memref<12288x768xf32, #tpu.memory_space<hbm>>
    tpu.enqueue_indirect_dma source(%dma_start3A_6 : memref<12288x768xf32, #tpu.memory_space<hbm>>) target(%arg6 : memref<128x768xf32, #tpu.memory_space<vmem>>) offsets(%arg5 : memref<128xi32, #tpu.memory_space<vmem>>) semaphore(%arg7 : memref<!tpu.dma_semaphore, #tpu.memory_space<semaphore_mem>>)
    %dma_wait3A = arith.constant 0 : i32
    %dma_wait3A_7 = arith.constant 0 : i32
    %dma_wait3A_8 = tpu.memref_slice %arg2[%dma_wait3A, %dma_wait3A_7] : memref<12288x768xf32, #tpu.memory_space<hbm>> -> memref<12288x768xf32, #tpu.memory_space<hbm>>
    tpu.wait_indirect_dma semaphore(%arg7 : memref<!tpu.dma_semaphore, #tpu.memory_space<semaphore_mem>>) src(%dma_wait3A_8 : memref<12288x768xf32, #tpu.memory_space<hbm>>) dst(%arg6 : memref<128x768xf32, #tpu.memory_space<vmem>>)
    "tpu.region"() ({
      %run_scoped3A = tpu.sem_alloc : memref<!tpu.dma_semaphore, #tpu.memory_space<semaphore_mem>>
      %dma_start3A_9 = arith.constant 0 : i32
      %dma_start3A_10 = tpu.memref_slice %arg4[%add3A_4, %dma_start3A_9] : memref<4096x768xf32, #tpu.memory_space<hbm>> -> memref<128x768xf32, #tpu.memory_space<hbm>>
      %dma_start3A_11 = arith.constant 0 : i32
      %dma_start3A_12 = tpu.memref_slice %arg4[%add3A_4, %dma_start3A_11] : memref<4096x768xf32, #tpu.memory_space<hbm>> -> memref<128x768xf32, #tpu.memory_space<hbm>>
      tpu.enqueue_dma source(%arg6 : memref<128x768xf32, #tpu.memory_space<vmem>>) target(%dma_start3A_12 : memref<128x768xf32, #tpu.memory_space<hbm>>) target_semaphore(%run_scoped3A : memref<!tpu.dma_semaphore, #tpu.memory_space<semaphore_mem>>)
      %dma_wait3A_13 = arith.constant 0 : i32
      %dma_wait3A_14 = tpu.memref_slice %arg4[%add3A_4, %dma_wait3A_13] : memref<4096x768xf32, #tpu.memory_space<hbm>> -> memref<128x768xf32, #tpu.memory_space<hbm>>
      %dma_wait3A_15 = arith.constant 0 : i32
      %dma_wait3A_16 = tpu.memref_slice %arg4[%add3A_4, %dma_wait3A_15] : memref<4096x768xf32, #tpu.memory_space<hbm>> -> memref<128x768xf32, #tpu.memory_space<hbm>>
      tpu.wait_dma2 semaphore(%run_scoped3A : memref<!tpu.dma_semaphore, #tpu.memory_space<semaphore_mem>>) src(%arg6 : memref<128x768xf32, #tpu.memory_space<vmem>>) dst(%dma_wait3A_16 : memref<128x768xf32, #tpu.memory_space<hbm>>)
      tpu.yield
    }) : () -> ()
    return
  }
}

#map = affine_map<(d0, d1) -> (0, 0)>
#map1 = affine_map<(d0, d1) -> (0)>
module attributes {stable_mosaic.version = 14 : i64} {
  func.func @k(%arg0: i32, %arg1: i32, %arg2: memref<2048x768xf32, #tpu.memory_space<hbm>>, %arg3: memref<12288xi32, #tpu.memory_space<hbm>>, %arg4: memref<12288x768xf32, #tpu.memory_space<hbm>>, %arg5: memref<128xi32, #tpu.memory_space<vmem>>, %arg6: memref<128x768xf32, #tpu.memory_space<vmem>>, %arg7: memref<!tpu.dma_semaphore, #tpu.memory_space<semaphore_mem>>) attributes {dimension_semantics = [#tpu.dimension_semantics<core_parallel>, #tpu.dimension_semantics<subcore_parallel>], iteration_bounds = array<i64: 2, 16>, scalar_prefetch = 0 : i64, scratch_operands = 3 : i64, tpu.core_type = #tpu.core_type<sc_vector_subcore>, window_params = [{transform_indices = #map}, {transform_indices = #map1}, {transform_indices = #map}]} {
    %mul3A = arith.constant 2 : i32
    %mul3A_0 = arith.muli %arg1, %mul3A : i32
    %add3A = arith.addi %mul3A_0, %arg0 : i32
    %mul3A_1 = arith.constant 384 : i32
    %mul3A_2 = arith.muli %add3A, %mul3A_1 : i32
    %add3A_3 = arith.constant 0 : i32
    %add3A_4 = arith.addi %mul3A_2, %add3A_3 : i32
    "tpu.region"() ({
      %run_scoped3A = tpu.sem_alloc : memref<!tpu.dma_semaphore, #tpu.memory_space<semaphore_mem>>
      %dma_start3A_25 = tpu.memref_slice %arg3[%add3A_4] : memref<12288xi32, #tpu.memory_space<hbm>> -> memref<128xi32, #tpu.memory_space<hbm>>
      %dma_start3A_26 = tpu.memref_slice %arg3[%add3A_4] : memref<12288xi32, #tpu.memory_space<hbm>> -> memref<128xi32, #tpu.memory_space<hbm>>
      tpu.enqueue_dma source(%dma_start3A_26 : memref<128xi32, #tpu.memory_space<hbm>>) target(%arg5 : memref<128xi32, #tpu.memory_space<vmem>>) target_semaphore(%run_scoped3A : memref<!tpu.dma_semaphore, #tpu.memory_space<semaphore_mem>>)
      %dma_wait3A_27 = tpu.memref_slice %arg3[%add3A_4] : memref<12288xi32, #tpu.memory_space<hbm>> -> memref<128xi32, #tpu.memory_space<hbm>>
      %dma_wait3A_28 = tpu.memref_slice %arg3[%add3A_4] : memref<12288xi32, #tpu.memory_space<hbm>> -> memref<128xi32, #tpu.memory_space<hbm>>
      tpu.wait_dma2 semaphore(%run_scoped3A : memref<!tpu.dma_semaphore, #tpu.memory_space<semaphore_mem>>) src(%dma_wait3A_28 : memref<128xi32, #tpu.memory_space<hbm>>) dst(%arg5 : memref<128xi32, #tpu.memory_space<vmem>>)
      tpu.yield
    }) : () -> ()
    %dma_start3A = arith.constant 0 : i32
    %dma_start3A_5 = arith.constant 0 : i32
    %dma_start3A_6 = tpu.memref_slice %arg2[%dma_start3A, %dma_start3A_5] : memref<2048x768xf32, #tpu.memory_space<hbm>> -> memref<2048x768xf32, #tpu.memory_space<hbm>>
    tpu.enqueue_indirect_dma source(%dma_start3A_6 : memref<2048x768xf32, #tpu.memory_space<hbm>>) target(%arg6 : memref<128x768xf32, #tpu.memory_space<vmem>>) offsets(%arg5 : memref<128xi32, #tpu.memory_space<vmem>>) semaphore(%arg7 : memref<!tpu.dma_semaphore, #tpu.memory_space<semaphore_mem>>)
    %dma_wait3A = arith.constant 0 : i32
    %dma_wait3A_7 = arith.constant 0 : i32
    %dma_wait3A_8 = tpu.memref_slice %arg2[%dma_wait3A, %dma_wait3A_7] : memref<2048x768xf32, #tpu.memory_space<hbm>> -> memref<2048x768xf32, #tpu.memory_space<hbm>>
    tpu.wait_indirect_dma semaphore(%arg7 : memref<!tpu.dma_semaphore, #tpu.memory_space<semaphore_mem>>) src(%dma_wait3A_8 : memref<2048x768xf32, #tpu.memory_space<hbm>>) dst(%arg6 : memref<128x768xf32, #tpu.memory_space<vmem>>)
    "tpu.region"() ({
      %run_scoped3A = tpu.sem_alloc : memref<!tpu.dma_semaphore, #tpu.memory_space<semaphore_mem>>
      %dma_start3A_25 = arith.constant 0 : i32
      %dma_start3A_26 = tpu.memref_slice %arg4[%add3A_4, %dma_start3A_25] : memref<12288x768xf32, #tpu.memory_space<hbm>> -> memref<128x768xf32, #tpu.memory_space<hbm>>
      %dma_start3A_27 = arith.constant 0 : i32
      %dma_start3A_28 = tpu.memref_slice %arg4[%add3A_4, %dma_start3A_27] : memref<12288x768xf32, #tpu.memory_space<hbm>> -> memref<128x768xf32, #tpu.memory_space<hbm>>
      tpu.enqueue_dma source(%arg6 : memref<128x768xf32, #tpu.memory_space<vmem>>) target(%dma_start3A_28 : memref<128x768xf32, #tpu.memory_space<hbm>>) target_semaphore(%run_scoped3A : memref<!tpu.dma_semaphore, #tpu.memory_space<semaphore_mem>>)
      %dma_wait3A_29 = arith.constant 0 : i32
      %dma_wait3A_30 = tpu.memref_slice %arg4[%add3A_4, %dma_wait3A_29] : memref<12288x768xf32, #tpu.memory_space<hbm>> -> memref<128x768xf32, #tpu.memory_space<hbm>>
      %dma_wait3A_31 = arith.constant 0 : i32
      %dma_wait3A_32 = tpu.memref_slice %arg4[%add3A_4, %dma_wait3A_31] : memref<12288x768xf32, #tpu.memory_space<hbm>> -> memref<128x768xf32, #tpu.memory_space<hbm>>
      tpu.wait_dma2 semaphore(%run_scoped3A : memref<!tpu.dma_semaphore, #tpu.memory_space<semaphore_mem>>) src(%arg6 : memref<128x768xf32, #tpu.memory_space<vmem>>) dst(%dma_wait3A_32 : memref<128x768xf32, #tpu.memory_space<hbm>>)
      tpu.yield
    }) : () -> ()
    %add3A_9 = arith.constant 128 : i32
    %add3A_10 = arith.addi %mul3A_2, %add3A_9 : i32
    "tpu.region"() ({
      %run_scoped3A = tpu.sem_alloc : memref<!tpu.dma_semaphore, #tpu.memory_space<semaphore_mem>>
      %dma_start3A_25 = tpu.memref_slice %arg3[%add3A_10] : memref<12288xi32, #tpu.memory_space<hbm>> -> memref<128xi32, #tpu.memory_space<hbm>>
      %dma_start3A_26 = tpu.memref_slice %arg3[%add3A_10] : memref<12288xi32, #tpu.memory_space<hbm>> -> memref<128xi32, #tpu.memory_space<hbm>>
      tpu.enqueue_dma source(%dma_start3A_26 : memref<128xi32, #tpu.memory_space<hbm>>) target(%arg5 : memref<128xi32, #tpu.memory_space<vmem>>) target_semaphore(%run_scoped3A : memref<!tpu.dma_semaphore, #tpu.memory_space<semaphore_mem>>)
      %dma_wait3A_27 = tpu.memref_slice %arg3[%add3A_10] : memref<12288xi32, #tpu.memory_space<hbm>> -> memref<128xi32, #tpu.memory_space<hbm>>
      %dma_wait3A_28 = tpu.memref_slice %arg3[%add3A_10] : memref<12288xi32, #tpu.memory_space<hbm>> -> memref<128xi32, #tpu.memory_space<hbm>>
      tpu.wait_dma2 semaphore(%run_scoped3A : memref<!tpu.dma_semaphore, #tpu.memory_space<semaphore_mem>>) src(%dma_wait3A_28 : memref<128xi32, #tpu.memory_space<hbm>>) dst(%arg5 : memref<128xi32, #tpu.memory_space<vmem>>)
      tpu.yield
    }) : () -> ()
    %dma_start3A_11 = arith.constant 0 : i32
    %dma_start3A_12 = arith.constant 0 : i32
    %dma_start3A_13 = tpu.memref_slice %arg2[%dma_start3A_11, %dma_start3A_12] : memref<2048x768xf32, #tpu.memory_space<hbm>> -> memref<2048x768xf32, #tpu.memory_space<hbm>>
    tpu.enqueue_indirect_dma source(%dma_start3A_13 : memref<2048x768xf32, #tpu.memory_space<hbm>>) target(%arg6 : memref<128x768xf32, #tpu.memory_space<vmem>>) offsets(%arg5 : memref<128xi32, #tpu.memory_space<vmem>>) semaphore(%arg7 : memref<!tpu.dma_semaphore, #tpu.memory_space<semaphore_mem>>)
    %dma_wait3A_14 = arith.constant 0 : i32
    %dma_wait3A_15 = arith.constant 0 : i32
    %dma_wait3A_16 = tpu.memref_slice %arg2[%dma_wait3A_14, %dma_wait3A_15] : memref<2048x768xf32, #tpu.memory_space<hbm>> -> memref<2048x768xf32, #tpu.memory_space<hbm>>
    tpu.wait_indirect_dma semaphore(%arg7 : memref<!tpu.dma_semaphore, #tpu.memory_space<semaphore_mem>>) src(%dma_wait3A_16 : memref<2048x768xf32, #tpu.memory_space<hbm>>) dst(%arg6 : memref<128x768xf32, #tpu.memory_space<vmem>>)
    "tpu.region"() ({
      %run_scoped3A = tpu.sem_alloc : memref<!tpu.dma_semaphore, #tpu.memory_space<semaphore_mem>>
      %dma_start3A_25 = arith.constant 0 : i32
      %dma_start3A_26 = tpu.memref_slice %arg4[%add3A_10, %dma_start3A_25] : memref<12288x768xf32, #tpu.memory_space<hbm>> -> memref<128x768xf32, #tpu.memory_space<hbm>>
      %dma_start3A_27 = arith.constant 0 : i32
      %dma_start3A_28 = tpu.memref_slice %arg4[%add3A_10, %dma_start3A_27] : memref<12288x768xf32, #tpu.memory_space<hbm>> -> memref<128x768xf32, #tpu.memory_space<hbm>>
      tpu.enqueue_dma source(%arg6 : memref<128x768xf32, #tpu.memory_space<vmem>>) target(%dma_start3A_28 : memref<128x768xf32, #tpu.memory_space<hbm>>) target_semaphore(%run_scoped3A : memref<!tpu.dma_semaphore, #tpu.memory_space<semaphore_mem>>)
      %dma_wait3A_29 = arith.constant 0 : i32
      %dma_wait3A_30 = tpu.memref_slice %arg4[%add3A_10, %dma_wait3A_29] : memref<12288x768xf32, #tpu.memory_space<hbm>> -> memref<128x768xf32, #tpu.memory_space<hbm>>
      %dma_wait3A_31 = arith.constant 0 : i32
      %dma_wait3A_32 = tpu.memref_slice %arg4[%add3A_10, %dma_wait3A_31] : memref<12288x768xf32, #tpu.memory_space<hbm>> -> memref<128x768xf32, #tpu.memory_space<hbm>>
      tpu.wait_dma2 semaphore(%run_scoped3A : memref<!tpu.dma_semaphore, #tpu.memory_space<semaphore_mem>>) src(%arg6 : memref<128x768xf32, #tpu.memory_space<vmem>>) dst(%dma_wait3A_32 : memref<128x768xf32, #tpu.memory_space<hbm>>)
      tpu.yield
    }) : () -> ()
    %add3A_17 = arith.constant 256 : i32
    %add3A_18 = arith.addi %mul3A_2, %add3A_17 : i32
    "tpu.region"() ({
      %run_scoped3A = tpu.sem_alloc : memref<!tpu.dma_semaphore, #tpu.memory_space<semaphore_mem>>
      %dma_start3A_25 = tpu.memref_slice %arg3[%add3A_18] : memref<12288xi32, #tpu.memory_space<hbm>> -> memref<128xi32, #tpu.memory_space<hbm>>
      %dma_start3A_26 = tpu.memref_slice %arg3[%add3A_18] : memref<12288xi32, #tpu.memory_space<hbm>> -> memref<128xi32, #tpu.memory_space<hbm>>
      tpu.enqueue_dma source(%dma_start3A_26 : memref<128xi32, #tpu.memory_space<hbm>>) target(%arg5 : memref<128xi32, #tpu.memory_space<vmem>>) target_semaphore(%run_scoped3A : memref<!tpu.dma_semaphore, #tpu.memory_space<semaphore_mem>>)
      %dma_wait3A_27 = tpu.memref_slice %arg3[%add3A_18] : memref<12288xi32, #tpu.memory_space<hbm>> -> memref<128xi32, #tpu.memory_space<hbm>>
      %dma_wait3A_28 = tpu.memref_slice %arg3[%add3A_18] : memref<12288xi32, #tpu.memory_space<hbm>> -> memref<128xi32, #tpu.memory_space<hbm>>
      tpu.wait_dma2 semaphore(%run_scoped3A : memref<!tpu.dma_semaphore, #tpu.memory_space<semaphore_mem>>) src(%dma_wait3A_28 : memref<128xi32, #tpu.memory_space<hbm>>) dst(%arg5 : memref<128xi32, #tpu.memory_space<vmem>>)
      tpu.yield
    }) : () -> ()
    %dma_start3A_19 = arith.constant 0 : i32
    %dma_start3A_20 = arith.constant 0 : i32
    %dma_start3A_21 = tpu.memref_slice %arg2[%dma_start3A_19, %dma_start3A_20] : memref<2048x768xf32, #tpu.memory_space<hbm>> -> memref<2048x768xf32, #tpu.memory_space<hbm>>
    tpu.enqueue_indirect_dma source(%dma_start3A_21 : memref<2048x768xf32, #tpu.memory_space<hbm>>) target(%arg6 : memref<128x768xf32, #tpu.memory_space<vmem>>) offsets(%arg5 : memref<128xi32, #tpu.memory_space<vmem>>) semaphore(%arg7 : memref<!tpu.dma_semaphore, #tpu.memory_space<semaphore_mem>>)
    %dma_wait3A_22 = arith.constant 0 : i32
    %dma_wait3A_23 = arith.constant 0 : i32
    %dma_wait3A_24 = tpu.memref_slice %arg2[%dma_wait3A_22, %dma_wait3A_23] : memref<2048x768xf32, #tpu.memory_space<hbm>> -> memref<2048x768xf32, #tpu.memory_space<hbm>>
    tpu.wait_indirect_dma semaphore(%arg7 : memref<!tpu.dma_semaphore, #tpu.memory_space<semaphore_mem>>) src(%dma_wait3A_24 : memref<2048x768xf32, #tpu.memory_space<hbm>>) dst(%arg6 : memref<128x768xf32, #tpu.memory_space<vmem>>)
    "tpu.region"() ({
      %run_scoped3A = tpu.sem_alloc : memref<!tpu.dma_semaphore, #tpu.memory_space<semaphore_mem>>
      %dma_start3A_25 = arith.constant 0 : i32
      %dma_start3A_26 = tpu.memref_slice %arg4[%add3A_18, %dma_start3A_25] : memref<12288x768xf32, #tpu.memory_space<hbm>> -> memref<128x768xf32, #tpu.memory_space<hbm>>
      %dma_start3A_27 = arith.constant 0 : i32
      %dma_start3A_28 = tpu.memref_slice %arg4[%add3A_18, %dma_start3A_27] : memref<12288x768xf32, #tpu.memory_space<hbm>> -> memref<128x768xf32, #tpu.memory_space<hbm>>
      tpu.enqueue_dma source(%arg6 : memref<128x768xf32, #tpu.memory_space<vmem>>) target(%dma_start3A_28 : memref<128x768xf32, #tpu.memory_space<hbm>>) target_semaphore(%run_scoped3A : memref<!tpu.dma_semaphore, #tpu.memory_space<semaphore_mem>>)
      %dma_wait3A_29 = arith.constant 0 : i32
      %dma_wait3A_30 = tpu.memref_slice %arg4[%add3A_18, %dma_wait3A_29] : memref<12288x768xf32, #tpu.memory_space<hbm>> -> memref<128x768xf32, #tpu.memory_space<hbm>>
      %dma_wait3A_31 = arith.constant 0 : i32
      %dma_wait3A_32 = tpu.memref_slice %arg4[%add3A_18, %dma_wait3A_31] : memref<12288x768xf32, #tpu.memory_space<hbm>> -> memref<128x768xf32, #tpu.memory_space<hbm>>
      tpu.wait_dma2 semaphore(%run_scoped3A : memref<!tpu.dma_semaphore, #tpu.memory_space<semaphore_mem>>) src(%arg6 : memref<128x768xf32, #tpu.memory_space<vmem>>) dst(%dma_wait3A_32 : memref<128x768xf32, #tpu.memory_space<hbm>>)
      tpu.yield
    }) : () -> ()
    return
  }
}

module attributes {stable_mosaic.version = 14 : i64} {
  func.func @_gate_kernel(%arg0: memref<2048x768xf32, #tpu.memory_space<vmem>>, %arg1: memref<768x64xf32, #tpu.memory_space<vmem>>, %arg2: memref<2048x2xf32, #tpu.memory_space<vmem>>, %arg3: memref<2048x2xi32, #tpu.memory_space<vmem>>) attributes {dimension_semantics = [], scalar_prefetch = 0 : i64, scratch_operands = 0 : i64, tpu.core_type = #tpu.core_type<tc>} {
    %get3A = arith.constant 0 : index
    %get3A_0 = arith.constant 0 : index
    %get3A_1 = vector.load %arg0[%get3A, %get3A_0] : memref<2048x768xf32, #tpu.memory_space<vmem>>, vector<2048x768xf32>
    %convert_element_type3A = arith.truncf %get3A_1 : vector<2048x768xf32> to vector<2048x768xbf16>
    %get3A_2 = arith.constant 0 : index
    %get3A_3 = arith.constant 0 : index
    %get3A_4 = vector.load %arg1[%get3A_2, %get3A_3] : memref<768x64xf32, #tpu.memory_space<vmem>>, vector<768x64xf32>
    %convert_element_type3A_5 = arith.truncf %get3A_4 : vector<768x64xf32> to vector<768x64xbf16>
    %dot_general3A = arith.constant dense<0.000000e+00> : vector<2048x64xf32>
    %dot_general3A_6 = tpu.matmul %convert_element_type3A, %convert_element_type3A_5, %dot_general3A {dimension_numbers = #tpu.dot_dimension_numbers<[1], [0], [0], [1], [0, 0, 1, 1], [], []>, transpose_lhs_hint = false} : vector<2048x768xbf16>, vector<768x64xbf16>, vector<2048x64xf32> -> vector<2048x64xf32>
    %reduce_max3A = arith.constant dense<0xFF800000> : vector<2048xf32>
    %reduce_max3A_7 = vector.multi_reduction <maximumf>, %dot_general3A_6, %reduce_max3A [1] : vector<2048x64xf32> to vector<2048xf32>
    %broadcast_in_dim3A = vector.shape_cast %reduce_max3A_7 : vector<2048xf32> to vector<2048x1xf32>
    %sub3A = vector.broadcast %broadcast_in_dim3A : vector<2048x1xf32> to vector<2048x64xf32>
    %sub3A_8 = arith.subf %dot_general3A_6, %sub3A : vector<2048x64xf32>
    %exp3A = math.exp %sub3A_8 : vector<2048x64xf32>
    %reduce_sum3A = arith.constant dense<0.000000e+00> : vector<2048xf32>
    %reduce_sum3A_9 = vector.multi_reduction <add>, %exp3A, %reduce_sum3A [1] : vector<2048x64xf32> to vector<2048xf32>
    %broadcast_in_dim3A_10 = vector.shape_cast %reduce_sum3A_9 : vector<2048xf32> to vector<2048x1xf32>
    %div3A = vector.broadcast %broadcast_in_dim3A_10 : vector<2048x1xf32> to vector<2048x64xf32>
    %div3A_11 = arith.divf %exp3A, %div3A : vector<2048x64xf32>
    %iota3A = tpu.iota {dimensions = array<i32: 1>} : vector<2048x64xi32>
    %reduce_max3A_12 = arith.constant dense<0xFF800000> : vector<2048xf32>
    %reduce_max3A_13 = vector.multi_reduction <maximumf>, %div3A_11, %reduce_max3A_12 [1] : vector<2048x64xf32> to vector<2048xf32>
    %broadcast_in_dim3A_14 = vector.shape_cast %reduce_max3A_13 : vector<2048xf32> to vector<2048x1xf32>
    %eq3A = vector.broadcast %broadcast_in_dim3A_14 : vector<2048x1xf32> to vector<2048x64xf32>
    %eq3A_15 = arith.cmpf oeq, %div3A_11, %eq3A : vector<2048x64xf32>
    %jit3A = arith.constant 64 : i32
    %broadcast_in_dim3A_16 = vector.broadcast %jit3A : i32 to vector<2048x64xi32>
    %select_n3A = arith.select %eq3A_15, %iota3A, %broadcast_in_dim3A_16 : vector<2048x64xi1>, vector<2048x64xi32>
    %reduce_min3A = arith.constant dense<2147483647> : vector<2048xi32>
    %reduce_min3A_17 = vector.multi_reduction <minsi>, %select_n3A, %reduce_min3A [1] : vector<2048x64xi32> to vector<2048xi32>
    %broadcast_in_dim3A_18 = vector.shape_cast %reduce_min3A_17 : vector<2048xi32> to vector<2048x1xi32>
    %eq3A_19 = vector.broadcast %broadcast_in_dim3A_18 : vector<2048x1xi32> to vector<2048x64xi32>
    %eq3A_20 = arith.cmpi eq, %iota3A, %eq3A_19 : vector<2048x64xi32>
    %jit3A_21 = arith.constant 0xFF800000 : f32
    %broadcast_in_dim3A_22 = vector.broadcast %jit3A_21 : f32 to vector<2048x64xf32>
    %select_n3A_23 = arith.select %eq3A_20, %broadcast_in_dim3A_22, %div3A_11 : vector<2048x64xi1>, vector<2048x64xf32>
    %reduce_max3A_24 = arith.constant dense<0xFF800000> : vector<2048xf32>
    %reduce_max3A_25 = vector.multi_reduction <maximumf>, %select_n3A_23, %reduce_max3A_24 [1] : vector<2048x64xf32> to vector<2048xf32>
    %broadcast_in_dim3A_26 = vector.shape_cast %reduce_max3A_25 : vector<2048xf32> to vector<2048x1xf32>
    %eq3A_27 = vector.broadcast %broadcast_in_dim3A_26 : vector<2048x1xf32> to vector<2048x64xf32>
    %eq3A_28 = arith.cmpf oeq, %select_n3A_23, %eq3A_27 : vector<2048x64xf32>
    %jit3A_29 = arith.constant 64 : i32
    %broadcast_in_dim3A_30 = vector.broadcast %jit3A_29 : i32 to vector<2048x64xi32>
    %select_n3A_31 = arith.select %eq3A_28, %iota3A, %broadcast_in_dim3A_30 : vector<2048x64xi1>, vector<2048x64xi32>
    %reduce_min3A_32 = arith.constant dense<2147483647> : vector<2048xi32>
    %reduce_min3A_33 = vector.multi_reduction <minsi>, %select_n3A_31, %reduce_min3A_32 [1] : vector<2048x64xi32> to vector<2048xi32>
    %broadcast_in_dim3A_34 = vector.shape_cast %reduce_min3A_33 : vector<2048xi32> to vector<2048x1xi32>
    %concatenate3A = tpu.concatenate %broadcast_in_dim3A_14, %broadcast_in_dim3A_26 in 1 : vector<2048x1xf32>, vector<2048x1xf32> -> vector<2048x2xf32>
    %swap3A = arith.constant 0 : index
    %swap3A_35 = arith.constant 0 : index
    %swap3A_36 = vector.load %arg2[%swap3A, %swap3A_35] : memref<2048x2xf32, #tpu.memory_space<vmem>>, vector<2048x2xf32>
    tpu.vector_store %arg2[%swap3A, %swap3A_35], %concatenate3A {strides = array<i32>} : memref<2048x2xf32, #tpu.memory_space<vmem>>, vector<2048x2xf32>,
    %concatenate3A_37 = tpu.concatenate %broadcast_in_dim3A_18, %broadcast_in_dim3A_34 in 1 : vector<2048x1xi32>, vector<2048x1xi32> -> vector<2048x2xi32>
    %swap3A_38 = arith.constant 0 : index
    %swap3A_39 = arith.constant 0 : index
    %swap3A_40 = vector.load %arg3[%swap3A_38, %swap3A_39] : memref<2048x2xi32, #tpu.memory_space<vmem>>, vector<2048x2xi32>
    tpu.vector_store %arg3[%swap3A_38, %swap3A_39], %concatenate3A_37 {strides = array<i32>} : memref<2048x2xi32, #tpu.memory_space<vmem>>, vector<2048x2xi32>,
    return
  }
}

module attributes {stable_mosaic.version = 14 : i64} {
  func.func @_ffn_kernel(%arg0: i32, %arg1: memref<97xi32, #tpu.memory_space<smem>>, %arg2: memref<128x768xf32, #tpu.memory_space<vmem>>, %arg3: memref<1x256x768xf32, #tpu.memory_space<vmem>>, %arg4: memref<1x256x768xf32, #tpu.memory_space<vmem>>, %arg5: memref<1x768x256xf32, #tpu.memory_space<vmem>>, %arg6: memref<128x768xf32, #tpu.memory_space<vmem>>) attributes {dimension_semantics = [#tpu.dimension_semantics<arbitrary>], iteration_bounds = array<i64: 96>, scalar_prefetch = 1 : i64, scratch_operands = 0 : i64, tpu.core_type = #tpu.core_type<tc>, window_params = [{transform_indices = @transform_0, window_bounds = array<i64: 128, 768>}, {transform_indices = @transform_1, window_bounds = array<i64: 1, 256, 768>}, {transform_indices = @transform_2, window_bounds = array<i64: 1, 256, 768>}, {transform_indices = @transform_3, window_bounds = array<i64: 1, 768, 256>}, {transform_indices = @transform_4, window_bounds = array<i64: 128, 768>}]} {
    %get3A = arith.constant 96 : index
    %get3A_0 = memref.load %arg1[%get3A] : memref<97xi32, #tpu.memory_space<smem>>
    %lt3A = arith.cmpi slt, %arg0, %get3A_0 : i32
    %convert_element_type3A = arith.extui %lt3A : i1 to i32
    %cond3A = arith.constant 0 : i32
    %cond3A_1 = arith.cmpi ne, %convert_element_type3A, %cond3A : i32
    scf.if %cond3A_1 {
      %get3A_2 = arith.constant 0 : index
      %get3A_3 = arith.constant 0 : index
      %get3A_4 = vector.load %arg2[%get3A_2, %get3A_3] : memref<128x768xf32, #tpu.memory_space<vmem>>, vector<128x768xf32>
      %convert_element_type3A_5 = arith.truncf %get3A_4 : vector<128x768xf32> to vector<128x768xbf16>
      %get3A_6 = arith.constant 0 : index
      %get3A_7 = arith.constant 0 : index
      %get3A_8 = arith.constant 0 : index
      %get3A_9 = vector.load %arg3[%get3A_6, %get3A_7, %get3A_8] : memref<1x256x768xf32, #tpu.memory_space<vmem>>, vector<1x256x768xf32>
      %get3A_10 = vector.shape_cast %get3A_9 : vector<1x256x768xf32> to vector<256x768xf32>
      %convert_element_type3A_11 = arith.truncf %get3A_10 : vector<256x768xf32> to vector<256x768xbf16>
      %get3A_12 = arith.constant 0 : index
      %get3A_13 = arith.constant 0 : index
      %get3A_14 = arith.constant 0 : index
      %get3A_15 = vector.load %arg4[%get3A_12, %get3A_13, %get3A_14] : memref<1x256x768xf32, #tpu.memory_space<vmem>>, vector<1x256x768xf32>
      %get3A_16 = vector.shape_cast %get3A_15 : vector<1x256x768xf32> to vector<256x768xf32>
      %convert_element_type3A_17 = arith.truncf %get3A_16 : vector<256x768xf32> to vector<256x768xbf16>
      %dot_general3A = arith.constant dense<0.000000e+00> : vector<128x256xf32>
      %dot_general3A_18 = tpu.matmul %convert_element_type3A_5, %convert_element_type3A_11, %dot_general3A {dimension_numbers = #tpu.dot_dimension_numbers<[1], [1], [0], [0], [0, 0, 1, 0], [], []>, transpose_lhs_hint = false} : vector<128x768xbf16>, vector<256x768xbf16>, vector<128x256xf32> -> vector<128x256xf32>
      %dot_general3A_19 = arith.constant dense<0.000000e+00> : vector<128x256xf32>
      %dot_general3A_20 = tpu.matmul %convert_element_type3A_5, %convert_element_type3A_17, %dot_general3A_19 {dimension_numbers = #tpu.dot_dimension_numbers<[1], [1], [0], [0], [0, 0, 1, 0], [], []>, transpose_lhs_hint = false} : vector<128x768xbf16>, vector<256x768xbf16>, vector<128x256xf32> -> vector<128x256xf32>
      %logistic3A = arith.negf %dot_general3A_18 : vector<128x256xf32>
      %logistic3A_21 = math.exp %logistic3A : vector<128x256xf32>
      %logistic3A_22 = arith.constant 1.000000e+00 : f32
      %logistic3A_23 = vector.broadcast %logistic3A_22 : f32 to vector<128x256xf32>
      %logistic3A_24 = arith.addf %logistic3A_23, %logistic3A_21 : vector<128x256xf32>
      %logistic3A_25 = arith.divf %logistic3A_23, %logistic3A_24 : vector<128x256xf32>
      %mul3A = arith.mulf %dot_general3A_18, %logistic3A_25 : vector<128x256xf32>
      %mul3A_26 = arith.mulf %mul3A, %dot_general3A_20 : vector<128x256xf32>
      %convert_element_type3A_27 = arith.truncf %mul3A_26 : vector<128x256xf32> to vector<128x256xbf16>
      %get3A_28 = arith.constant 0 : index
      %get3A_29 = arith.constant 0 : index
      %get3A_30 = arith.constant 0 : index
      %get3A_31 = vector.load %arg5[%get3A_28, %get3A_29, %get3A_30] : memref<1x768x256xf32, #tpu.memory_space<vmem>>, vector<1x768x256xf32>
      %get3A_32 = vector.shape_cast %get3A_31 : vector<1x768x256xf32> to vector<768x256xf32>
      %convert_element_type3A_33 = arith.truncf %get3A_32 : vector<768x256xf32> to vector<768x256xbf16>
      %dot_general3A_34 = arith.constant dense<0.000000e+00> : vector<128x768xf32>
      %dot_general3A_35 = tpu.matmul %convert_element_type3A_27, %convert_element_type3A_33, %dot_general3A_34 {dimension_numbers = #tpu.dot_dimension_numbers<[1], [1], [0], [0], [0, 0, 1, 0], [], []>, transpose_lhs_hint = false} : vector<128x256xbf16>, vector<768x256xbf16>, vector<128x768xf32> -> vector<128x768xf32>
      %swap3A = arith.constant 0 : index
      %swap3A_36 = arith.constant 0 : index
      %swap3A_37 = vector.load %arg6[%swap3A, %swap3A_36] : memref<128x768xf32, #tpu.memory_space<vmem>>, vector<128x768xf32>
      tpu.vector_store %arg6[%swap3A, %swap3A_36], %dot_general3A_35 {strides = array<i32>} : memref<128x768xf32, #tpu.memory_space<vmem>>, vector<128x768xf32>,
    } else {
    }
    return
  }
  func.func @transform_0(%arg0: i32, %arg1: memref<97xi32, #tpu.memory_space<smem>>) -> (i32, i32) {
    %c0_i32 = arith.constant 0 : i32
    %c0_i32_0 = arith.constant 0 : i32
    return %arg0, %c0_i32 : i32, i32
  }
  func.func @transform_1(%arg0: i32, %arg1: memref<97xi32, #tpu.memory_space<smem>>) -> (i32, i32, i32) {
    %get3A = arith.index_cast %arg0 : i32 to index
    %get3A_0 = memref.load %arg1[%get3A] : memref<97xi32, #tpu.memory_space<smem>>
    %c0_i32 = arith.constant 0 : i32
    %c0_i32_1 = arith.constant 0 : i32
    %c0_i32_2 = arith.constant 0 : i32
    return %get3A_0, %c0_i32, %c0_i32_1 : i32, i32, i32
  }
  func.func @transform_2(%arg0: i32, %arg1: memref<97xi32, #tpu.memory_space<smem>>) -> (i32, i32, i32) {
    %get3A = arith.index_cast %arg0 : i32 to index
    %get3A_0 = memref.load %arg1[%get3A] : memref<97xi32, #tpu.memory_space<smem>>
    %c0_i32 = arith.constant 0 : i32
    %c0_i32_1 = arith.constant 0 : i32
    %c0_i32_2 = arith.constant 0 : i32
    return %get3A_0, %c0_i32, %c0_i32_1 : i32, i32, i32
  }
  func.func @transform_3(%arg0: i32, %arg1: memref<97xi32, #tpu.memory_space<smem>>) -> (i32, i32, i32) {
    %get3A = arith.index_cast %arg0 : i32 to index
    %get3A_0 = memref.load %arg1[%get3A] : memref<97xi32, #tpu.memory_space<smem>>
    %c0_i32 = arith.constant 0 : i32
    %c0_i32_1 = arith.constant 0 : i32
    %c0_i32_2 = arith.constant 0 : i32
    return %get3A_0, %c0_i32, %c0_i32_1 : i32, i32, i32
  }
  func.func @transform_4(%arg0: i32, %arg1: memref<97xi32, #tpu.memory_space<smem>>) -> (i32, i32) {
    %c0_i32 = arith.constant 0 : i32
    %c0_i32_0 = arith.constant 0 : i32
    return %arg0, %c0_i32 : i32, i32
  }
}

module attributes {stable_mosaic.version = 14 : i64} {
  func.func @_shared_kernel(%arg0: i32, %arg1: memref<256x768xf32, #tpu.memory_space<vmem>>, %arg2: memref<512x768xf32, #tpu.memory_space<vmem>>, %arg3: memref<512x768xf32, #tpu.memory_space<vmem>>, %arg4: memref<768x512xf32, #tpu.memory_space<vmem>>, %arg5: memref<256x768xf32, #tpu.memory_space<vmem>>, %arg6: memref<256x768xf32, #tpu.memory_space<vmem>>, %arg7: memref<256x2xf32, #tpu.memory_space<vmem>>, %arg8: memref<256x768xf32, #tpu.memory_space<vmem>>) attributes {dimension_semantics = [#tpu.dimension_semantics<arbitrary>], iteration_bounds = array<i64: 8>, scalar_prefetch = 0 : i64, scratch_operands = 0 : i64, tpu.core_type = #tpu.core_type<tc>, window_params = [{transform_indices = @transform_0, window_bounds = array<i64: 256, 768>}, {pipeline_mode = #tpu.pipeline_mode<synchronous>, transform_indices = @transform_1, window_bounds = array<i64: 512, 768>}, {pipeline_mode = #tpu.pipeline_mode<synchronous>, transform_indices = @transform_2, window_bounds = array<i64: 512, 768>}, {pipeline_mode = #tpu.pipeline_mode<synchronous>, transform_indices = @transform_3, window_bounds = array<i64: 768, 512>}, {transform_indices = @transform_4, window_bounds = array<i64: 256, 768>}, {transform_indices = @transform_5, window_bounds = array<i64: 256, 768>}, {transform_indices = @transform_6, window_bounds = array<i64: 256, 2>}, {transform_indices = @transform_7, window_bounds = array<i64: 256, 768>}]} {
    %get3A = arith.constant 0 : index
    %get3A_0 = arith.constant 0 : index
    %get3A_1 = vector.load %arg1[%get3A, %get3A_0] : memref<256x768xf32, #tpu.memory_space<vmem>>, vector<256x768xf32>
    %convert_element_type3A = arith.truncf %get3A_1 : vector<256x768xf32> to vector<256x768xbf16>
    %get3A_2 = arith.constant 0 : index
    %get3A_3 = arith.constant 0 : index
    %get3A_4 = vector.load %arg2[%get3A_2, %get3A_3] : memref<512x768xf32, #tpu.memory_space<vmem>>, vector<512x768xf32>
    %convert_element_type3A_5 = arith.truncf %get3A_4 : vector<512x768xf32> to vector<512x768xbf16>
    %get3A_6 = arith.constant 0 : index
    %get3A_7 = arith.constant 0 : index
    %get3A_8 = vector.load %arg3[%get3A_6, %get3A_7] : memref<512x768xf32, #tpu.memory_space<vmem>>, vector<512x768xf32>
    %convert_element_type3A_9 = arith.truncf %get3A_8 : vector<512x768xf32> to vector<512x768xbf16>
    %dot_general3A = arith.constant dense<0.000000e+00> : vector<256x512xf32>
    %dot_general3A_10 = tpu.matmul %convert_element_type3A, %convert_element_type3A_5, %dot_general3A {dimension_numbers = #tpu.dot_dimension_numbers<[1], [1], [0], [0], [0, 0, 1, 0], [], []>, transpose_lhs_hint = false} : vector<256x768xbf16>, vector<512x768xbf16>, vector<256x512xf32> -> vector<256x512xf32>
    %dot_general3A_11 = arith.constant dense<0.000000e+00> : vector<256x512xf32>
    %dot_general3A_12 = tpu.matmul %convert_element_type3A, %convert_element_type3A_9, %dot_general3A_11 {dimension_numbers = #tpu.dot_dimension_numbers<[1], [1], [0], [0], [0, 0, 1, 0], [], []>, transpose_lhs_hint = false} : vector<256x768xbf16>, vector<512x768xbf16>, vector<256x512xf32> -> vector<256x512xf32>
    %logistic3A = arith.negf %dot_general3A_10 : vector<256x512xf32>
    %logistic3A_13 = math.exp %logistic3A : vector<256x512xf32>
    %logistic3A_14 = arith.constant 1.000000e+00 : f32
    %logistic3A_15 = vector.broadcast %logistic3A_14 : f32 to vector<256x512xf32>
    %logistic3A_16 = arith.addf %logistic3A_15, %logistic3A_13 : vector<256x512xf32>
    %logistic3A_17 = arith.divf %logistic3A_15, %logistic3A_16 : vector<256x512xf32>
    %mul3A = arith.mulf %dot_general3A_10, %logistic3A_17 : vector<256x512xf32>
    %mul3A_18 = arith.mulf %mul3A, %dot_general3A_12 : vector<256x512xf32>
    %convert_element_type3A_19 = arith.truncf %mul3A_18 : vector<256x512xf32> to vector<256x512xbf16>
    %get3A_20 = arith.constant 0 : index
    %get3A_21 = arith.constant 0 : index
    %get3A_22 = vector.load %arg4[%get3A_20, %get3A_21] : memref<768x512xf32, #tpu.memory_space<vmem>>, vector<768x512xf32>
    %convert_element_type3A_23 = arith.truncf %get3A_22 : vector<768x512xf32> to vector<768x512xbf16>
    %dot_general3A_24 = arith.constant dense<0.000000e+00> : vector<256x768xf32>
    %dot_general3A_25 = tpu.matmul %convert_element_type3A_19, %convert_element_type3A_23, %dot_general3A_24 {dimension_numbers = #tpu.dot_dimension_numbers<[1], [1], [0], [0], [0, 0, 1, 0], [], []>, transpose_lhs_hint = false} : vector<256x512xbf16>, vector<768x512xbf16>, vector<256x768xf32> -> vector<256x768xf32>
    %get3A_26 = arith.constant 0 : index
    %get3A_27 = arith.constant 0 : index
    %get3A_28 = vector.load %arg7[%get3A_26, %get3A_27] : memref<256x2xf32, #tpu.memory_space<vmem>>, vector<256x2xf32>
    %slice3A = vector.extract_strided_slice %get3A_28 {offsets = [0, 0], sizes = [256, 1], strides = [1, 1]} : vector<256x2xf32> to vector<256x1xf32>
    %get3A_29 = arith.constant 0 : index
    %get3A_30 = arith.constant 0 : index
    %get3A_31 = vector.load %arg5[%get3A_29, %get3A_30] : memref<256x768xf32, #tpu.memory_space<vmem>>, vector<256x768xf32>
    %mul3A_32 = vector.broadcast %slice3A : vector<256x1xf32> to vector<256x768xf32>
    %mul3A_33 = arith.mulf %mul3A_32, %get3A_31 : vector<256x768xf32>
    %add3A = arith.addf %dot_general3A_25, %mul3A_33 : vector<256x768xf32>
    %slice3A_34 = vector.extract_strided_slice %get3A_28 {offsets = [0, 1], sizes = [256, 1], strides = [1, 1]} : vector<256x2xf32> to vector<256x1xf32>
    %get3A_35 = arith.constant 0 : index
    %get3A_36 = arith.constant 0 : index
    %get3A_37 = vector.load %arg6[%get3A_35, %get3A_36] : memref<256x768xf32, #tpu.memory_space<vmem>>, vector<256x768xf32>
    %mul3A_38 = vector.broadcast %slice3A_34 : vector<256x1xf32> to vector<256x768xf32>
    %mul3A_39 = arith.mulf %mul3A_38, %get3A_37 : vector<256x768xf32>
    %add3A_40 = arith.addf %add3A, %mul3A_39 : vector<256x768xf32>
    %swap3A = arith.constant 0 : index
    %swap3A_41 = arith.constant 0 : index
    %swap3A_42 = vector.load %arg8[%swap3A, %swap3A_41] : memref<256x768xf32, #tpu.memory_space<vmem>>, vector<256x768xf32>
    tpu.vector_store %arg8[%swap3A, %swap3A_41], %add3A_40 {strides = array<i32>} : memref<256x768xf32, #tpu.memory_space<vmem>>, vector<256x768xf32>,
    return
  }
  func.func @transform_0(%arg0: i32) -> (i32, i32) {
    %c0_i32 = arith.constant 0 : i32
    %c0_i32_0 = arith.constant 0 : i32
    return %arg0, %c0_i32 : i32, i32
  }
  func.func @transform_1(%arg0: i32) -> (i32, i32) {
    %c0_i32 = arith.constant 0 : i32
    %c0_i32_0 = arith.constant 0 : i32
    %c0_i32_1 = arith.constant 0 : i32
    return %c0_i32, %c0_i32_0 : i32, i32
  }
  func.func @transform_2(%arg0: i32) -> (i32, i32) {
    %c0_i32 = arith.constant 0 : i32
    %c0_i32_0 = arith.constant 0 : i32
    %c0_i32_1 = arith.constant 0 : i32
    return %c0_i32, %c0_i32_0 : i32, i32
  }
  func.func @transform_3(%arg0: i32) -> (i32, i32) {
    %c0_i32 = arith.constant 0 : i32
    %c0_i32_0 = arith.constant 0 : i32
    %c0_i32_1 = arith.constant 0 : i32
    return %c0_i32, %c0_i32_0 : i32, i32
  }
  func.func @transform_4(%arg0: i32) -> (i32, i32) {
    %c0_i32 = arith.constant 0 : i32
    %c0_i32_0 = arith.constant 0 : i32
    return %arg0, %c0_i32 : i32, i32
  }
  func.func @transform_5(%arg0: i32) -> (i32, i32) {
    %add3A = arith.constant 8 : i32
    %add3A_0 = arith.addi %arg0, %add3A : i32
    %c0_i32 = arith.constant 0 : i32
    %c0_i32_1 = arith.constant 0 : i32
    return %add3A_0, %c0_i32 : i32, i32
  }
  func.func @transform_6(%arg0: i32) -> (i32, i32) {
    %c0_i32 = arith.constant 0 : i32
    %c0_i32_0 = arith.constant 0 : i32
    return %arg0, %c0_i32 : i32, i32
  }
  func.func @transform_7(%arg0: i32) -> (i32, i32) {
    %c0_i32 = arith.constant 0 : i32
    %c0_i32_0 = arith.constant 0 : i32
    return %arg0, %c0_i32 : i32, i32
  }
}

</mosaic_0001>

<sc_bundles>
// kernel: kernel.10.cloned.1.call-start
scs
__scs_entry_jumppad:
0x0: {  	(pc) =	sbr.rel $0x88, $3  }
0x1: {  	(tag) =	ssettag $0x0;
	lr =	simm.s32 $0x1  }
0x2: {  	[smem:$0x3F99] =	sst lr;
	_ =	strace $0xD0000000  }
0x3: {  	_ = 	snop  }
0x4: {  	_ = 	snop  }
0x5: {  	_ = 	snop  }
0x6: {  	_ = 	snop  }
0x7: {  	_ = 	snop  }
__scs_overlays_trampoline_lowered:
0x8: {  	[smem:$0x3FA8] =	sst s0  }
0x9: {  	[smem:$0x3FA9] =	sst s1  }
0xa: {  	[smem:$0x3FAA] =	sst s2  }
0xb: {  	[smem:$0x3FAB] =	sst s3  }
0xc: {  	[smem:$0x3FAC] =	sst s4  }
0xd: {  	[smem:$0x3FAD] =	sst s5  }
0xe: {  	[smem:$0x3FAE] =	sst s6  }
0xf: {  	[smem:$0x3FAF] =	sst s7  }
0x10: {  	[smem:$0x3FB0] =	sst s8  }
0x11: {  	[smem:$0x3FB1] =	sst s9;
	s0 =	simm.s32 @!p0 $0x0  }
0x12: {  	s1 =	sld [smem:$0x3F97];
	s0 =	simm.s32 @p0 $0x1  }
0x13: {  	[smem:$0x3FB2] =	sst s0;
	s0 =	simm.s32 @!p1 $0x0  }
0x14: {  	s2 =	sld [smem:$0x3F96];
	s0 =	simm.s32 @p1 $0x1  }
0x15: {  	[smem:$0x3FB3] =	sst s0;
	s0 =	simm.s32 @!p2 $0x0  }
0x16: {  	s3 =	sld [smem:$0x3FDB];
	s0 =	simm.s32 @p2 $0x1  }
0x17: {  	s4 =	simm.s32 $0x1BF5;
	[smem:$0x3FB5] =	sst s0  }
0x18: {  	s0 =	sld [smem:$0x3F98];
	_ =	swait.ge [sflag:s4], $0x0  }
0x19: {  	s7 =	sld [smem:$0x3F99]  }
0x1a: {  	s8 =	sadd.s32 $0xFFFFE003, lr  }
0x1b: {  	s9 =	sadd.s32 $0xFFFFFEF7, lr;
	s5 =	simm.s32 $0xFFFFFFFF;
	p2 =	slt.u32 s8, $0xFFFFF086  }
0x1c: {  	p1 =	slt.u32 s9, $0xF7A;
	s5 =	simm.s32 @!p2 $0x0  }
0x1d: {  	s5 =	simm.s32 @p1 $0x1;
	p0 =	seq.s32 s7, s2  }
0x1e: {  	s7 =	smul.u32 @!p0 $0xF7A, s2;
	p2 =	seq.s32 @!p0 s5, $0x0  }
0x1f: {  	s9 =	smul.u32 $0xF7A, s1;
	s8 =	simm.s32 @!p0 $0x1BF5;
	p2 =	por !p2, p0  }
0x20: {  	[sflag:s8] =	ssyncset.s32 @!p0 $0xFFFFF086;
	s6 =	sadd.s32 @!p0 s3, s7;
	s7 =	simm.s32 @!p0 $0x108  }
0x21: {  	s3 =	sadd.s32 s3, s9;
	s6 =	sadd.s32 @!p0 $0x88, s6;
	s7 =	simm.s32 @p2 $0x1082  }
0x22: {  	[simem:s7], [sflag:s8] =	dma.local @!p0 [hbm:s6], $0xF7A  }
0x23: {  	s9 =	sor.u32 $0xD0000000, s2;
	s6 =	simm.s32 $0x108;
	_ =	swait.ge @!p0 [sflag:s8], $0x0  }
0x24: {  	s3 =	sadd.s32 $0x88, s3;
	s6 =	simm.s32 @!p1 $0x1082;
	[sflag:s4] =	ssyncset.s32 $0xFFFFF086  }
0x25: {  	[simem:s6], [sflag:s4] =	dma.local [hbm:s3], $0xF7A  }
0x26: {  	[smem:$0x3F99] =	sst s1;
	(tag) =	ssettag s2;
	_ =	strace s9  }
0x27: {  	s1 =	sld [smem:$0x3FA9]  }
0x28: {  	s2 =	sld [smem:$0x3FAA]  }
0x29: {  	s4 =	sld [smem:$0x3FAC]  }
0x2a: {  	p0 =	seq.s32 s5, $0x0;
	s5 =	sld [smem:$0x3FAD]  }
0x2b: {  	s6 =	sld [smem:$0x3FAE]  }
0x2c: {  	s7 =	sld [smem:$0x3FAF]  }
0x2d: {  	s3 =	simm.s32 $0x108;
	s8 =	sld [smem:$0x3FB0]  }
0x2e: {  	s3 =	simm.s32 @!p0 $0x1082;
	s9 =	sld [smem:$0x3FB1]  }
0x2f: {  	lr =	sadd.s32 s0, s3;
	s0 =	sld [smem:$0x3FA8]  }
0x30: {  	s3 =	sld [smem:$0x3FAB]  }
0x31: {  	[smem:$0x3FB4] =	sst s10  }
0x32: {  	s10 =	sld [smem:$0x3FB2];
	_ =	sdelay $0x3  }
0x33: {  	p0 =	seq.s32 s10, $0x1;
	s10 =	sld [smem:$0x3FB4];
	_ =	sdelay $0x3  }
0x34: {  	[smem:$0x3FB4] =	sst s10  }
0x35: {  	s10 =	sld [smem:$0x3FB3];
	_ =	sdelay $0x3  }
0x36: {  	p1 =	seq.s32 s10, $0x1;
	s10 =	sld [smem:$0x3FB4];
	_ =	sdelay $0x3  }
0x37: {  	[smem:$0x3FB4] =	sst s10  }
0x38: {  	s10 =	sld [smem:$0x3FB5]  }
0x39: {  	_ = 	snop;
	(pc) =	sbr.ind lr, $3  }
0x3a: {  	_ = 	snop  }
0x3b: {  	_ = 	snop  }
0x3c: {  	p2 =	seq.s32 s10, $0x1;
	s10 =	sld [smem:$0x3FB4]  }
0x3d: {  	_ =	shalt  }
0x3e: {  	_ =	shalt  }
0x3f: {  	_ =	shalt  }
0x40: {  	_ =	shalt  }
0x41: {  	_ =	shalt  }
0x42: {  	_ =	shalt  }
0x43: {  	_ =	shalt  }
0x44: {  	_ =	shalt  }
0x45: {  	_ =	shalt  }
0x46: {  	_ =	shalt  }
0x47: {  	_ =	shalt  }
0x48: {  	_ =	shalt  }
0x49: {  	_ =	shalt  }
0x4a: {  	_ =	shalt  }
0x4b: {  	_ =	shalt  }
0x4c: {  	_ =	shalt  }
0x4d: {  	_ =	shalt  }
0x4e: {  	_ =	shalt  }
0x4f: {  	_ =	shalt  }
0x50: {  	_ =	shalt  }
0x51: {  	_ =	shalt  }
0x52: {  	_ =	shalt  }
0x53: {  	_ =	shalt  }
0x54: {  	_ =	shalt  }
0x55: {  	_ =	shalt  }
0x56: {  	_ =	shalt  }
0x57: {  	_ =	shalt  }
0x58: {  	_ =	shalt  }
0x59: {  	_ =	shalt  }
0x5a: {  	_ =	shalt  }
0x5b: {  	_ =	shalt  }
0x5c: {  	_ =	shalt  }
0x5d: {  	_ =	shalt  }
0x5e: {  	_ =	shalt  }
0x5f: {  	_ =	shalt  }
0x60: {  	_ =	shalt  }
0x61: {  	_ =	shalt  }
0x62: {  	_ =	shalt  }
0x63: {  	_ =	shalt  }
0x64: {  	_ =	shalt  }
0x65: {  	_ =	shalt  }
0x66: {  	_ =	shalt  }
0x67: {  	_ =	shalt  }
0x68: {  	_ =	shalt  }
0x69: {  	_ =	shalt  }
0x6a: {  	_ =	shalt  }
0x6b: {  	_ =	shalt  }
0x6c: {  	_ =	shalt  }
0x6d: {  	_ =	shalt  }
0x6e: {  	_ =	shalt  }
0x6f: {  	_ =	shalt  }
0x70: {  	_ =	shalt  }
0x71: {  	_ =	shalt  }
0x72: {  	_ =	shalt  }
0x73: {  	_ =	shalt  }
0x74: {  	_ =	shalt  }
0x75: {  	_ =	shalt  }
0x76: {  	_ =	shalt  }
0x77: {  	_ =	shalt  }
0x78: {  	_ =	shalt  }
0x79: {  	_ =	shalt  }
0x7a: {  	_ =	shalt  }
0x7b: {  	_ =	shalt  }
0x7c: {  	_ =	shalt  }
0x7d: {  	_ =	shalt  }
0x7e: {  	_ =	shalt  }
0x7f: {  	_ =	shalt  }
0x80: {  	_ =	shalt  }
0x81: {  	_ =	shalt  }
0x82: {  	_ =	shalt  }
0x83: {  	_ =	shalt  }
0x84: {  	_ =	shalt  }
0x85: {  	_ =	shalt  }
0x86: {  	_ =	shalt  }
0x87: {  	_ =	shalt  }
.Lfunc_end0:
.L_simem_size_0:
called_computation.1_lowered:
.L_overlay_start_0:
0x88: {  	s2 =	sld [smem:$0x3FD9]  }
0x89: {  	s3 =	sld [smem:$0x3FFE];
	_ =	sdelay $0x1  }
0x8a: {  	s1 =	srdreg.scid  }
0x8b: {  	s0 =	sand.u32 $0x1, s1  }
0x8c: {  	s16 =	sshll.u32 s0, $0xA;
	s2 =	sadd.s32 s3, s2  }
0x8d: {  	s2 =	sadd.s32 s2, s16  }
0x8e: {  	[smem:$0x3FC0] =	sst s2  }
0x8f: {  	_ = 	snop  }
0x90: {  	(tm) =	ssettm $0x1  }
0x91: {  	s17 =	sld [smem:$0x3FFB];
	_ =	sdelay $0x3  }
0x92: {  	_ =	strace s17  }
0x93: {  	s2 =	sld [smem:$0x3FFC];
	_ =	sdelay $0x3  }
0x94: {  	_ =	strace s2  }
0x95: {  	s2 =	sld [smem:$0x3FFD];
	_ =	sdelay $0x3  }
0x96: {  	_ =	strace s2  }
0x97: {  	_ =	strace $0x8FFFFFFF  }
0x98: {  	s18 =	sld [smem:$0x3FDB];
	_ =	sdelay $0x1  }
0x99: {  	s19 =	simm.s32 $_scs_section_size  }
0x9a: {  	s4 =	simm.s32 $_size__tile_overlayer_lowered;
	s5 =	simm.s32 $_tile_overlayer_lowered  }
0x9b: {  	s22 =	simm.s32 $0x1BFF;
	s21 =	sshll.u32 s5, $0x1;
	s2 =	sadd.s32 s19, s18  }
0x9c: {  	s6 =	simm.s32 $0x0;
	s20 =	sshll.u32 s4, $0x1;
	s4 =	sadd.s32 s21, s2  }
0x9d: {  	[timem:s6], [sflag:s22] =	dma.local [hbm:s4], s20  }
0x9e: {  	_ =	swait.ge [sflag:s22], s20  }
0x9f: {  	s3 =	ssub.s32 $0x0, s20;
	[sflag:s22] =	ssyncset.done $0x0  }
0xa0: {  	[sflag:s22] =	ssyncadd.s32 s3;
	_ =	sdelay $0x1  }
0xa1: {  	s23 =	simm.s32 $0x1B8B  }
0xa2: {  	_ =	swait.ge [sflag:s23], $0x1  }
0xa3: {  	[sflag:s23] =	ssyncset.done $0x0  }
0xa4: {  	s25 =	simm.s32 $0x1B8E;
	s24 =	sld [smem:$0x3FFE];
	[sflag:s23] =	ssyncadd.s32 $0xFFFFFFFF  }
0xa5: {  	s26 =	simm.s32 $execute0_lowered;
	[smem:$0x3FD2] =	sst s25  }
0xa6: {  	s4 =	sshll.u32 s26, $0x1;
	_ =	strace $0x80000049;
	[dreg:$0x1] =	wrdreg $0xFFFFFFFF  }
0xa7: {  	s28 =	simm.s32 $_size_execute0_lowered;
	s2 =	sadd.s32 s2, s4;
	[dreg:$0x0] =	wrdreg $0x0  }
0xa8: {  	s4 =	sshll.u32 s28, $0x1;
	[dreg:$0x2] =	wrdreg s2  }
0xa9: {  	[dreg:$0x3] =	wrdreg s4  }
0xaa: {  	[dreg:$0x4] =	wrdreg $0xC0  }
0xab: {  	_ =	task [dreg:s6], $0x5FFFF  }
0xac: {  	[dreg:$0x1] =	wrdreg $0xFFFFFFFF  }
0xad: {  	[dreg:$0x0] =	wrdreg $0x60  }
0xae: {  	[dreg:$0x2] =	wrdreg s24  }
0xaf: {  	[dreg:$0x3] =	wrdreg $0x9  }
0xb0: {  	_ =	task.clear_ibuf [dreg:s6], $0x4FFFF;
	_ =	strace $0x90000049  }
0xb1: {  	s29 =	simm.s32 $0x9;
	_ =	strace $0x8000004B  }
0xb2: {  	_ =	swait.ge [sflag:s29], $0x1  }
0xb3: {  	[sflag:s29] =	ssyncadd.s32 $0xFFFFFFFF  }
0xb4: {  	_ =	strace $0x9000004B  }
0xb5: {  	_ =	sfence  }
0xb6: {  	s30 =	sld [smem:$0x0];
	_ =	sdelay $0x2  }
0xb7: {  	s31 =	sshll.u32 s1, $0xD;
	s1 =	sshrl.u32 s1, $0x2  }
0xb8: {  	s3 =	sand.u32 $0x4000, s31;
	s1 =	sadd.s32 s1, s30  }
0xb9: {  	s0 =	sor.u32 s3, s0;
	s1 =	sshll.u32 s1, $0x11  }
0xba: {  	s0 =	sor.u32 s1, s0  }
0xbb: {  	s0 =	sadd.s32 $0x8F2B, s0  }
0xbc: {  	[sflag:s0] =	ssyncadd.remote.s32 $0x1  }
0xbd: {  	_ =	sfence.sel $0xFFFF  }
0xbe: {  	[dreg:$0x0] =	wrdreg $0xFFFFFFFF;
	(pc) =	sbr.abs _section_cstart, $3  }
0xbf: {  	[dreg:$0x1] =	wrdreg $0xFFFFFFFF  }
0xc0: {  	_ =	task.clear_ibuf [dreg:s6], $0x2FFFF;
	_ =	strace $0x9FFFFFFF  }
0xc1: {  	(tm) =	ssettm $0x7FFFFFFF  }
tec
execute0_lowered:
.L_overlay_start_1:
0x0: {  	(tag) =	ssettag $0x1  }
0x1: {  	s1 =	srdreg.scid  }
0x2: {  	s0 =	stileid.u32;
	s1 =	sand.u32 $0x1, s1  }
0x3: {  	s2 =	sshll.u32 s0, $0x5;
	s3 =	sshll.u32 s1, $0x4  }
0x4: {  	s5 =	rddreg [dreg:$0x0];
	s3 =	sor.u32 s3, s2;
	s2 =	simm.s32 $0x0  }
0x5: {  	s4 =	smul.u32 $0x300, s3;
	[smem:$0x7FF] =	sst s2;
	s3 =	sadd.s32 s5, s3  }
0x6: {  	s26 =	simm.s32 $0x880;
	_ =	strace $0x8000004A;
	[dreg:$0x2] =	wrdreg s3  }
0x7: {  	s0 =	simm.s32 $0x1080;
	[dreg:$0x4] =	wrdreg s26  }
0x8: {  	s6 =	simm.s32 $0x2080;
	[dreg:$0x5] =	wrdreg s0  }
0x9: {  	s7 =	simm.s32 $0x2880;
	[dreg:$0x7] =	wrdreg s6  }
0xa: {  	s8 =	simm.s32 $0x3080;
	[dreg:$0x8] =	wrdreg s7  }
0xb: {  	s9 =	simm.s32 $0x3880;
	[dreg:$0x9] =	wrdreg s8  }
0xc: {  	s10 =	simm.s32 $0x4080;
	[dreg:$0xa] =	wrdreg s9  }
0xd: {  	s11 =	simm.s32 $0x4880;
	[dreg:$0xb] =	wrdreg s10  }
0xe: {  	s12 =	simm.s32 $0x5080;
	[dreg:$0xc] =	wrdreg s11  }
0xf: {  	s13 =	simm.s32 $0x5880;
	[dreg:$0xd] =	wrdreg s12  }
0x10: {  	s14 =	simm.s32 $0x6080;
	[dreg:$0xe] =	wrdreg s13  }
0x11: {  	s15 =	simm.s32 $0x6880;
	[dreg:$0xf] =	wrdreg s14  }
0x12: {  	s16 =	simm.s32 $0x7080;
	[dreg:$0x10] =	wrdreg s15  }
0x13: {  	s17 =	simm.s32 $0x7880;
	[dreg:$0x11] =	wrdreg s16  }
0x14: {  	s18 =	simm.s32 $0x8080;
	s19 =	simm.s32 $0x8880;
	[dreg:$0x12] =	wrdreg s17  }
0x15: {  	s20 =	simm.s32 $0x9080;
	s21 =	simm.s32 $0x9880;
	[dreg:$0x13] =	wrdreg s18  }
0x16: {  	s22 =	simm.s32 $0xA080;
	s23 =	simm.s32 $0xA880;
	[dreg:$0x14] =	wrdreg s19  }
0x17: {  	s24 =	simm.s32 $0xB880;
	s28 =	simm.s32 $0x16080;
	[dreg:$0x15] =	wrdreg s20  }
0x18: {  	s29 =	simm.s32 $0x16880;
	s30 =	simm.s32 $0x17080;
	[dreg:$0x16] =	wrdreg s21  }
0x19: {  	s31 =	simm.s32 $0x17880;
	s1 =	ssub.s32 $0x2, s1;
	[dreg:$0x17] =	wrdreg s22  }
0x1a: {  	s3 =	sadd.s32 $0x120800, s5;
	s6 =	sshrl.u32 s1, $0x1;
	[dreg:$0x18] =	wrdreg s23  }
0x1b: {  	s7 =	simm.s32 $0xB080;
	[dreg:$0x1a] =	wrdreg s24;
	s8 =	simm.s32 $0x80  }
0x1c: {  	s26 =	simm.s32 $0xC880;
	s10 =	simm.s32 $0xD880;
	s11 =	simm.s32 $0xE080  }
0x1d: {  	s12 =	simm.s32 $0xE880;
	s13 =	simm.s32 $0xF080;
	s14 =	simm.s32 $0xF880  }
0x1e: {  	s15 =	simm.s32 $0x10080;
	s16 =	simm.s32 $0x10880;
	s17 =	simm.s32 $0x11080  }
0x1f: {  	s18 =	simm.s32 $0x11880;
	s19 =	simm.s32 $0x12080;
	s20 =	simm.s32 $0x12880  }
0x20: {  	s21 =	simm.s32 $0x13080;
	s22 =	simm.s32 $0x13880;
	s23 =	simm.s32 $0x14080  }
0x21: {  	s24 =	simm.s32 $0x14880;
	s4 =	sadd.s32 s4, s5;
	[dreg:$0x19] =	wrdreg s7  }
0x22: {  	s1 =	ssub.s32 s1, s6;
	s7 =	simm.s32 $0x2;
	[dreg:$0x1c] =	wrdreg s26  }
0x23: {  	s26 =	simm.s32 $0x15880;
	s25 =	sadd.s32 $0x200, s4;
	s4 =	simm.s32 $0x1880  }
0x24: {  	v2 =	vlaneseq.u32;
	s6 =	smax.u32 s1, $0x1;
	s1 =	simm.s32 $0x1;
	[dreg:$0x3] =	wrdreg s25  }
0x25: {  	vm0 =	vmmov $0xffff;
	v1 =	vshrl.u32 v2, $0x3;
	[dreg:$0x6] =	wrdreg s4;
	s4 =	sadd.s32 $0x120900, s5;
	s25 =	simm.s32 $0xC080  }
0x26: {  	v0 =	vand.u32 $0x7, v2;
	v2 =	vor.u32 $0x8, v2;
	v1 =	vmul.u32 $0x8, v1;
	s5 =	sadd.s32 $0x120A00, s5;
	[dreg:$0x1b] =	wrdreg s25;
	s25 =	simm.s32 $0x15080  }
.LBB2_1:
0x27: {  	s0 =	rddreg [dreg:$0x2]  }
0x28: {  	[tilespmem:s2], [sflag:$0x2] =	stream.linear.gather [hbm4b:s0+s2], $0x80, $0x38;
	[tilespmem:$0x18080] =	vst v63  }
0x29: {  	_ =	swait.ge [sflag:s7], $0x80  }
0x2a: {  	[sflag:s7] =	ssyncset.done $0x0  }
0x2b: {  	[sflag:s7] =	ssyncadd.s32 $0xFFFFFF80  }
0x2c: {  	v3 =	vld [tilespmem:$0x0];
	_ =	sdelay $0x4  }
0x2d: {  	v4 =	vshrl.u32 v3, $0x3  }
0x2e: {  	v4 =	vmul.u32 $0x30, v4  }
0x2f: {  	v3 =	vand.u32 $0x7, v3  }
0x30: {  	v3 =	vor.u32 v3, v4  }
0x31: {  	v4 =	vperm.xlane v3, v0;
	_ =	sdelay $0x1  }
0x32: {  	v4 =	vadd.s32 v1, v4;
	_ =	sdelay $0x3  }
0x33: {  	v3 =	vperm.xlane v3, v2  }
0x34: {  	[tilespmem:s8], [sflag:$0x1] =	stream.indirect_vreg.gather [hbm4b:s3+s2], $0x80, v4, vm0, $0xb8;
	[tilespmem:$0x18080] =	vst v63  }
0x35: {  	s0 =	rddreg [dreg:$0x4];
	v3 =	vadd.s32 v1, v3  }
0x36: {  	[tilespmem:s0], [sflag:$0x1] =	stream.indirect_vreg.gather [hbm4b:s4+s2], $0x80, v4, vm0, $0xb8;
	[tilespmem:$0x18080] =	vst v63  }
0x37: {  	s9 =	rddreg [dreg:$0x5]  }
0x38: {  	[tilespmem:s9], [sflag:$0x1] =	stream.indirect_vreg.gather [hbm4b:s5+s2], $0x80, v4, vm0, $0xb8;
	[tilespmem:$0x18080] =	vst v63  }
0x39: {  	s0 =	rddreg [dreg:$0x6]  }
0x3a: {  	[tilespmem:s0], [sflag:$0x1] =	stream.indirect_vreg.gather [hbm4b:s3+s2], $0x80, v3, vm0, $0xb8;
	[tilespmem:$0x18080] =	vst v63  }
0x3b: {  	s9 =	rddreg [dreg:$0x7]  }
0x3c: {  	[tilespmem:s9], [sflag:$0x1] =	stream.indirect_vreg.gather [hbm4b:s4+s2], $0x80, v3, vm0, $0xb8;
	[tilespmem:$0x18080] =	vst v63  }
0x3d: {  	s0 =	rddreg [dreg:$0x8]  }
0x3e: {  	[tilespmem:s0], [sflag:$0x1] =	stream.indirect_vreg.gather [hbm4b:s5+s2], $0x80, v3, vm0, $0xb8;
	[tilespmem:$0x18080] =	vst v63  }
0x3f: {  	v3 =	vld [tilespmem:$0x10];
	_ =	sdelay $0x4  }
0x40: {  	v57 =	vshrl.u32 v3, $0x3  }
0x41: {  	v4 =	vmul.u32 $0x30, v57  }
0x42: {  	v3 =	vand.u32 $0x7, v3  }
0x43: {  	v3 =	vor.u32 v3, v4  }
0x44: {  	v4 =	vperm.xlane v3, v0;
	_ =	sdelay $0x1  }
0x45: {  	v4 =	vadd.s32 v1, v4;
	_ =	sdelay $0x3  }
0x46: {  	s0 =	rddreg [dreg:$0x9];
	v3 =	vperm.xlane v3, v2  }
0x47: {  	[tilespmem:s0], [sflag:$0x1] =	stream.indirect_vreg.gather [hbm4b:s3+s2], $0x80, v4, vm0, $0xb8;
	[tilespmem:$0x18080] =	vst v63  }
0x48: {  	s9 =	rddreg [dreg:$0xa];
	v3 =	vadd.s32 v1, v3  }
0x49: {  	[tilespmem:s9], [sflag:$0x1] =	stream.indirect_vreg.gather [hbm4b:s4+s2], $0x80, v4, vm0, $0xb8;
	[tilespmem:$0x18080] =	vst v63  }
0x4a: {  	s0 =	rddreg [dreg:$0xb]  }
0x4b: {  	[tilespmem:s0], [sflag:$0x1] =	stream.indirect_vreg.gather [hbm4b:s5+s2], $0x80, v4, vm0, $0xb8;
	[tilespmem:$0x18080] =	vst v63  }
0x4c: {  	s9 =	rddreg [dreg:$0xc]  }
0x4d: {  	[tilespmem:s9], [sflag:$0x1] =	stream.indirect_vreg.gather [hbm4b:s3+s2], $0x80, v3, vm0, $0xb8;
	[tilespmem:$0x18080] =	vst v63  }
0x4e: {  	s0 =	rddreg [dreg:$0xd]  }
0x4f: {  	[tilespmem:s0], [sflag:$0x1] =	stream.indirect_vreg.gather [hbm4b:s4+s2], $0x80, v3, vm0, $0xb8;
	[tilespmem:$0x18080] =	vst v63  }
0x50: {  	s9 =	rddreg [dreg:$0xe]  }
0x51: {  	[tilespmem:s9], [sflag:$0x1] =	stream.indirect_vreg.gather [hbm4b:s5+s2], $0x80, v3, vm0, $0xb8;
	[tilespmem:$0x18080] =	vst v63  }
0x52: {  	v3 =	vld [tilespmem:$0x20];
	_ =	sdelay $0x4  }
0x53: {  	v58 =	vshrl.u32 v3, $0x3  }
0x54: {  	v4 =	vmul.u32 $0x30, v58  }
0x55: {  	v3 =	vand.u32 $0x7, v3  }
0x56: {  	v3 =	vor.u32 v3, v4  }
0x57: {  	v4 =	vperm.xlane v3, v0;
	_ =	sdelay $0x1  }
0x58: {  	v4 =	vadd.s32 v1, v4;
	_ =	sdelay $0x3  }
0x59: {  	s0 =	rddreg [dreg:$0xf];
	v3 =	vperm.xlane v3, v2  }
0x5a: {  	[tilespmem:s0], [sflag:$0x1] =	stream.indirect_vreg.gather [hbm4b:s3+s2], $0x80, v4, vm0, $0xb8;
	[tilespmem:$0x18080] =	vst v63  }
0x5b: {  	s9 =	rddreg [dreg:$0x10];
	v3 =	vadd.s32 v1, v3  }
0x5c: {  	[tilespmem:s9], [sflag:$0x1] =	stream.indirect_vreg.gather [hbm4b:s4+s2], $0x80, v4, vm0, $0xb8;
	[tilespmem:$0x18080] =	vst v63  }
0x5d: {  	s0 =	rddreg [dreg:$0x11]  }
0x5e: {  	[tilespmem:s0], [sflag:$0x1] =	stream.indirect_vreg.gather [hbm4b:s5+s2], $0x80, v4, vm0, $0xb8;
	[tilespmem:$0x18080] =	vst v63  }
0x5f: {  	s9 =	rddreg [dreg:$0x12]  }
0x60: {  	[tilespmem:s9], [sflag:$0x1] =	stream.indirect_vreg.gather [hbm4b:s3+s2], $0x80, v3, vm0, $0xb8;
	[tilespmem:$0x18080] =	vst v63  }
0x61: {  	s0 =	rddreg [dreg:$0x13]  }
0x62: {  	[tilespmem:s0], [sflag:$0x1] =	stream.indirect_vreg.gather [hbm4b:s4+s2], $0x80, v3, vm0, $0xb8;
	[tilespmem:$0x18080] =	vst v63  }
0x63: {  	s9 =	rddreg [dreg:$0x14]  }
0x64: {  	[tilespmem:s9], [sflag:$0x1] =	stream.indirect_vreg.gather [hbm4b:s5+s2], $0x80, v3, vm0, $0xb8;
	[tilespmem:$0x18080] =	vst v63  }
0x65: {  	v3 =	vld [tilespmem:$0x30];
	_ =	sdelay $0x4  }
0x66: {  	v59 =	vshrl.u32 v3, $0x3  }
0x67: {  	v4 =	vmul.u32 $0x30, v59  }
0x68: {  	v3 =	vand.u32 $0x7, v3  }
0x69: {  	v3 =	vor.u32 v3, v4  }
0x6a: {  	v4 =	vperm.xlane v3, v0;
	_ =	sdelay $0x1  }
0x6b: {  	v4 =	vadd.s32 v1, v4;
	_ =	sdelay $0x3  }
0x6c: {  	s0 =	rddreg [dreg:$0x15];
	v3 =	vperm.xlane v3, v2  }
0x6d: {  	[tilespmem:s0], [sflag:$0x1] =	stream.indirect_vreg.gather [hbm4b:s3+s2], $0x80, v4, vm0, $0xb8;
	[tilespmem:$0x18080] =	vst v63  }
0x6e: {  	s9 =	rddreg [dreg:$0x16];
	v3 =	vadd.s32 v1, v3  }
0x6f: {  	[tilespmem:s9], [sflag:$0x1] =	stream.indirect_vreg.gather [hbm4b:s4+s2], $0x80, v4, vm0, $0xb8;
	[tilespmem:$0x18080] =	vst v63  }
0x70: {  	s0 =	rddreg [dreg:$0x17]  }
0x71: {  	[tilespmem:s0], [sflag:$0x1] =	stream.indirect_vreg.gather [hbm4b:s5+s2], $0x80, v4, vm0, $0xb8;
	[tilespmem:$0x18080] =	vst v63  }
0x72: {  	s9 =	rddreg [dreg:$0x18]  }
0x73: {  	[tilespmem:s9], [sflag:$0x1] =	stream.indirect_vreg.gather [hbm4b:s3+s2], $0x80, v3, vm0, $0xb8;
	[tilespmem:$0x18080] =	vst v63  }
0x74: {  	s0 =	rddreg [dreg:$0x19]  }
0x75: {  	[tilespmem:s0], [sflag:$0x1] =	stream.indirect_vreg.gather [hbm4b:s4+s2], $0x80, v3, vm0, $0xb8;
	[tilespmem:$0x18080] =	vst v63  }
0x76: {  	s9 =	rddreg [dreg:$0x1a]  }
0x77: {  	[tilespmem:s9], [sflag:$0x1] =	stream.indirect_vreg.gather [hbm4b:s5+s2], $0x80, v3, vm0, $0xb8;
	[tilespmem:$0x18080] =	vst v63  }
0x78: {  	v3 =	vld [tilespmem:$0x40];
	_ =	sdelay $0x4  }
0x79: {  	v60 =	vshrl.u32 v3, $0x3  }
0x7a: {  	v4 =	vmul.u32 $0x30, v60  }
0x7b: {  	v3 =	vand.u32 $0x7, v3  }
0x7c: {  	v3 =	vor.u32 v3, v4  }
0x7d: {  	v4 =	vperm.xlane v3, v0;
	_ =	sdelay $0x1  }
0x7e: {  	v4 =	vadd.s32 v1, v4;
	_ =	sdelay $0x3  }
0x7f: {  	s0 =	rddreg [dreg:$0x1b];
	v3 =	vperm.xlane v3, v2  }
0x80: {  	[tilespmem:s0], [sflag:$0x1] =	stream.indirect_vreg.gather [hbm4b:s3+s2], $0x80, v4, vm0, $0xb8;
	[tilespmem:$0x18080] =	vst v63  }
0x81: {  	s9 =	rddreg [dreg:$0x1c];
	v3 =	vadd.s32 v1, v3  }
0x82: {  	[tilespmem:s9], [sflag:$0x1] =	stream.indirect_vreg.gather [hbm4b:s4+s2], $0x80, v4, vm0, $0xb8;
	[tilespmem:$0x18080] =	vst v63  }
0x83: {  	s9 =	simm.s32 $0xD080  }
0x84: {  	[tilespmem:s9], [sflag:$0x1] =	stream.indirect_vreg.gather [hbm4b:s5+s2], $0x80, v4, vm0, $0xb8;
	[tilespmem:$0x18080] =	vst v63  }
0x85: {  	_ = 	snop  }
0x86: {  	[tilespmem:s10], [sflag:$0x1] =	stream.indirect_vreg.gather [hbm4b:s3+s2], $0x80, v3, vm0, $0xb8;
	[tilespmem:$0x18080] =	vst v63  }
0x87: {  	_ = 	snop  }
0x88: {  	[tilespmem:s11], [sflag:$0x1] =	stream.indirect_vreg.gather [hbm4b:s4+s2], $0x80, v3, vm0, $0xb8;
	[tilespmem:$0x18080] =	vst v63  }
0x89: {  	_ = 	snop  }
0x8a: {  	[tilespmem:s12], [sflag:$0x1] =	stream.indirect_vreg.gather [hbm4b:s5+s2], $0x80, v3, vm0, $0xb8;
	[tilespmem:$0x18080] =	vst v63  }
0x8b: {  	v3 =	vld [tilespmem:$0x50];
	_ =	sdelay $0x4  }
0x8c: {  	v61 =	vshrl.u32 v3, $0x3  }
0x8d: {  	v4 =	vmul.u32 $0x30, v61  }
0x8e: {  	v3 =	vand.u32 $0x7, v3  }
0x8f: {  	v3 =	vor.u32 v3, v4  }
0x90: {  	v4 =	vperm.xlane v3, v0;
	_ =	sdelay $0x1  }
0x91: {  	v4 =	vadd.s32 v1, v4;
	_ =	sdelay $0x3  }
0x92: {  	v3 =	vperm.xlane v3, v2  }
0x93: {  	[tilespmem:s13], [sflag:$0x1] =	stream.indirect_vreg.gather [hbm4b:s3+s2], $0x80, v4, vm0, $0xb8;
	[tilespmem:$0x18080] =	vst v63  }
0x94: {  	v3 =	vadd.s32 v1, v3  }
0x95: {  	[tilespmem:s14], [sflag:$0x1] =	stream.indirect_vreg.gather [hbm4b:s4+s2], $0x80, v4, vm0, $0xb8;
	[tilespmem:$0x18080] =	vst v63  }
0x96: {  	_ = 	snop  }
0x97: {  	[tilespmem:s15], [sflag:$0x1] =	stream.indirect_vreg.gather [hbm4b:s5+s2], $0x80, v4, vm0, $0xb8;
	[tilespmem:$0x18080] =	vst v63  }
0x98: {  	_ = 	snop  }
0x99: {  	[tilespmem:s16], [sflag:$0x1] =	stream.indirect_vreg.gather [hbm4b:s3+s2], $0x80, v3, vm0, $0xb8;
	[tilespmem:$0x18080] =	vst v63  }
0x9a: {  	_ = 	snop  }
0x9b: {  	[tilespmem:s17], [sflag:$0x1] =	stream.indirect_vreg.gather [hbm4b:s4+s2], $0x80, v3, vm0, $0xb8;
	[tilespmem:$0x18080] =	vst v63  }
0x9c: {  	_ = 	snop  }
0x9d: {  	[tilespmem:s18], [sflag:$0x1] =	stream.indirect_vreg.gather [hbm4b:s5+s2], $0x80, v3, vm0, $0xb8;
	[tilespmem:$0x18080] =	vst v63  }
0x9e: {  	v3 =	vld [tilespmem:$0x60];
	_ =	sdelay $0x4  }
0x9f: {  	v62 =	vshrl.u32 v3, $0x3  }
0xa0: {  	v4 =	vmul.u32 $0x30, v62  }
0xa1: {  	v3 =	vand.u32 $0x7, v3  }
0xa2: {  	v3 =	vor.u32 v3, v4  }
0xa3: {  	v4 =	vperm.xlane v3, v0;
	_ =	sdelay $0x1  }
0xa4: {  	v4 =	vadd.s32 v1, v4;
	_ =	sdelay $0x3  }
0xa5: {  	v3 =	vperm.xlane v3, v2  }
0xa6: {  	[tilespmem:s19], [sflag:$0x1] =	stream.indirect_vreg.gather [hbm4b:s3+s2], $0x80, v4, vm0, $0xb8;
	[tilespmem:$0x18080] =	vst v63  }
0xa7: {  	v3 =	vadd.s32 v1, v3  }
0xa8: {  	[tilespmem:s20], [sflag:$0x1] =	stream.indirect_vreg.gather [hbm4b:s4+s2], $0x80, v4, vm0, $0xb8;
	[tilespmem:$0x18080] =	vst v63  }
0xa9: {  	_ = 	snop  }
0xaa: {  	[tilespmem:s21], [sflag:$0x1] =	stream.indirect_vreg.gather [hbm4b:s5+s2], $0x80, v4, vm0, $0xb8;
	[tilespmem:$0x18080] =	vst v63  }
0xab: {  	_ = 	snop  }
0xac: {  	[tilespmem:s22], [sflag:$0x1] =	stream.indirect_vreg.gather [hbm4b:s3+s2], $0x80, v3, vm0, $0xb8;
	[tilespmem:$0x18080] =	vst v63  }
0xad: {  	_ = 	snop  }
0xae: {  	[tilespmem:s23], [sflag:$0x1] =	stream.indirect_vreg.gather [hbm4b:s4+s2], $0x80, v3, vm0, $0xb8;
	[tilespmem:$0x18080] =	vst v63  }
0xaf: {  	_ = 	snop  }
0xb0: {  	[tilespmem:s24], [sflag:$0x1] =	stream.indirect_vreg.gather [hbm4b:s5+s2], $0x80, v3, vm0, $0xb8;
	[tilespmem:$0x18080] =	vst v63  }
0xb1: {  	v3 =	vld [tilespmem:$0x70];
	_ =	sdelay $0x4  }
0xb2: {  	v63 =	vshrl.u32 v3, $0x3  }
0xb3: {  	v4 =	vmul.u32 $0x30, v63  }
0xb4: {  	v3 =	vand.u32 $0x7, v3  }
0xb5: {  	v3 =	vor.u32 v3, v4  }
0xb6: {  	v4 =	vperm.xlane v3, v0;
	_ =	sdelay $0x1  }
0xb7: {  	v4 =	vadd.s32 v1, v4;
	_ =	sdelay $0x3  }
0xb8: {  	v3 =	vperm.xlane v3, v2  }
0xb9: {  	[tilespmem:s25], [sflag:$0x1] =	stream.indirect_vreg.gather [hbm4b:s3+s2], $0x80, v4, vm0, $0xb8;
	[tilespmem:$0x18080] =	vst v63  }
0xba: {  	v3 =	vadd.s32 v1, v3  }
0xbb: {  	[tilespmem:s26], [sflag:$0x1] =	stream.indirect_vreg.gather [hbm4b:s4+s2], $0x80, v4, vm0, $0xb8;
	[tilespmem:$0x18080] =	vst v63  }
0xbc: {  	_ = 	snop  }
0xbd: {  	[tilespmem:s28], [sflag:$0x1] =	stream.indirect_vreg.gather [hbm4b:s5+s2], $0x80, v4, vm0, $0xb8;
	[tilespmem:$0x18080] =	vst v63  }
0xbe: {  	_ = 	snop  }
0xbf: {  	[tilespmem:s29], [sflag:$0x1] =	stream.indirect_vreg.gather [hbm4b:s3+s2], $0x80, v3, vm0, $0xb8;
	[tilespmem:$0x18080] =	vst v63  }
0xc0: {  	_ = 	snop  }
0xc1: {  	[tilespmem:s30], [sflag:$0x1] =	stream.indirect_vreg.gather [hbm4b:s4+s2], $0x80, v3, vm0, $0xb8;
	[tilespmem:$0x18080] =	vst v63  }
0xc2: {  	_ = 	snop  }
0xc3: {  	[tilespmem:s31], [sflag:$0x1] =	stream.indirect_vreg.gather [hbm4b:s5+s2], $0x80, v3, vm0, $0xb8;
	[tilespmem:$0x18080] =	vst v63  }
0xc4: {  	_ =	swait.ge [sflag:s1], $0x18000  }
0xc5: {  	p0 =	sne.s32 s6, $0x1;
	[sflag:s1] =	ssyncset.done $0x0  }
.Ltmp0:
0xc6: {  	s9 =	rddreg [dreg:$0x3];
	[sflag:s1] =	ssyncadd.s32 $0xFFFE8000;
	(pc) =	sbr.rel @p0 .LBB2_1-.Ltmp0, $4  }
0xc7: {  	[hbm4b:s9+s2] =	stream.linear.scatter [tilespmem:s8], [sflag:$0x2], $0x18000, $0x38;
	[tilespmem:$0x18080] =	vst v63  }
0xc8: {  	_ =	swait.ge [sflag:s7], $0x18000  }
0xc9: {  	[sflag:s7] =	ssyncset.done $0x0  }
0xca: {  	s6 =	sadd.s32 $0xFFFFFFFF, s6;
	[sflag:s7] =	ssyncadd.s32 $0xFFFE8000  }
0xcb: {  	_ =	sfence.sel $0x180000  }
0xcc: {  	[bflag:$0x0] =	sbarrier.arrive $0xFFFF  }
0xcd: {  	_ =	strace $0x9000004A  }
0xce: {  	s0 =	stileid.u32;
	[bflag:$0x2] =	sbarrier.arrive $0xFFFF  }
0xcf: {  	p0 =	sne.s32 s0, $0x0;
	s0 =	rddreg [dreg:$0x1]  }
0xd0: {  	s0 =	sadd.s32 @!p0 $0x100000, s0  }
0xd1: {  	[sflag:s0] =	ssyncadd.tile.s32 @!p0 $0x1;
	_ =	shalt  }
.Lfunc_end2:
_tile_overlayer_lowered:
.L_overlay_start_2:
0xd2: {  	(tag) =	ssettag $0x2  }
0xd3: {  	s0 =	rddreg [dreg:$0x0];
	s2 =	stileid.u32  }
0xd4: {  	s1 =	rddreg [dreg:$0x1];
	p0 =	sne.s32 s2, $0x0  }
0xd5: {  	s3 =	rddreg [dreg:$0x2];
	[bflag:$0x3] =	sbarrier.arrive $0xFFFF;
	s2 =	simm.s32 @!p0 $0x1C02  }
0xd6: {  	[timem:s3], [sflag:s2] =	dma.local @!p0 [hbm:s0], s1  }
0xd7: {  	s0 =	simm.s32 @!p0 $0x2  }
0xd8: {  	_ =	swait.ge @!p0 [sflag:s0], s1  }
0xd9: {  	s1 =	ssub.s32 @!p0 $0x0, s1;
	[sflag:s0] =	ssyncset.done @!p0 $0x0  }
0xda: {  	[sflag:s0] =	ssyncadd.s32 @!p0 s1  }
0xdb: {  	[bflag:$0x3] =	sbarrier.arrive $0xFFFF  }
0xdc: {  	_ =	shalt  }

// kernel: kernel.7.cloned.1.call-start
scs
__scs_entry_jumppad:
0x0: {  	(pc) =	sbr.rel $0x88, $3  }
0x1: {  	(tag) =	ssettag $0x0;
	lr =	simm.s32 $0x1  }
0x2: {  	[smem:$0x3F99] =	sst lr;
	_ =	strace $0xD0000000  }
0x3: {  	_ = 	snop  }
0x4: {  	_ = 	snop  }
0x5: {  	_ = 	snop  }
0x6: {  	_ = 	snop  }
0x7: {  	_ = 	snop  }
__scs_overlays_trampoline_lowered:
0x8: {  	[smem:$0x3FA8] =	sst s0  }
0x9: {  	[smem:$0x3FA9] =	sst s1  }
0xa: {  	[smem:$0x3FAA] =	sst s2  }
0xb: {  	[smem:$0x3FAB] =	sst s3  }
0xc: {  	[smem:$0x3FAC] =	sst s4  }
0xd: {  	[smem:$0x3FAD] =	sst s5  }
0xe: {  	[smem:$0x3FAE] =	sst s6  }
0xf: {  	[smem:$0x3FAF] =	sst s7  }
0x10: {  	[smem:$0x3FB0] =	sst s8  }
0x11: {  	[smem:$0x3FB1] =	sst s9;
	s0 =	simm.s32 @!p0 $0x0  }
0x12: {  	s1 =	sld [smem:$0x3F97];
	s0 =	simm.s32 @p0 $0x1  }
0x13: {  	[smem:$0x3FB2] =	sst s0;
	s0 =	simm.s32 @!p1 $0x0  }
0x14: {  	s2 =	sld [smem:$0x3F96];
	s0 =	simm.s32 @p1 $0x1  }
0x15: {  	[smem:$0x3FB3] =	sst s0;
	s0 =	simm.s32 @!p2 $0x0  }
0x16: {  	s3 =	sld [smem:$0x3FDB];
	s0 =	simm.s32 @p2 $0x1  }
0x17: {  	s4 =	simm.s32 $0x1BF5;
	[smem:$0x3FB5] =	sst s0  }
0x18: {  	s0 =	sld [smem:$0x3F98];
	_ =	swait.ge [sflag:s4], $0x0  }
0x19: {  	s7 =	sld [smem:$0x3F99]  }
0x1a: {  	s8 =	sadd.s32 $0xFFFFE003, lr  }
0x1b: {  	s9 =	sadd.s32 $0xFFFFFEF7, lr;
	s5 =	simm.s32 $0xFFFFFFFF;
	p2 =	slt.u32 s8, $0xFFFFF086  }
0x1c: {  	p1 =	slt.u32 s9, $0xF7A;
	s5 =	simm.s32 @!p2 $0x0  }
0x1d: {  	s5 =	simm.s32 @p1 $0x1;
	p0 =	seq.s32 s7, s2  }
0x1e: {  	s7 =	smul.u32 @!p0 $0xF7A, s2;
	p2 =	seq.s32 @!p0 s5, $0x0  }
0x1f: {  	s9 =	smul.u32 $0xF7A, s1;
	s8 =	simm.s32 @!p0 $0x1BF5;
	p2 =	por !p2, p0  }
0x20: {  	[sflag:s8] =	ssyncset.s32 @!p0 $0xFFFFF086;
	s6 =	sadd.s32 @!p0 s3, s7;
	s7 =	simm.s32 @!p0 $0x108  }
0x21: {  	s3 =	sadd.s32 s3, s9;
	s6 =	sadd.s32 @!p0 $0x88, s6;
	s7 =	simm.s32 @p2 $0x1082  }
0x22: {  	[simem:s7], [sflag:s8] =	dma.local @!p0 [hbm:s6], $0xF7A  }
0x23: {  	s9 =	sor.u32 $0xD0000000, s2;
	s6 =	simm.s32 $0x108;
	_ =	swait.ge @!p0 [sflag:s8], $0x0  }
0x24: {  	s3 =	sadd.s32 $0x88, s3;
	s6 =	simm.s32 @!p1 $0x1082;
	[sflag:s4] =	ssyncset.s32 $0xFFFFF086  }
0x25: {  	[simem:s6], [sflag:s4] =	dma.local [hbm:s3], $0xF7A  }
0x26: {  	[smem:$0x3F99] =	sst s1;
	(tag) =	ssettag s2;
	_ =	strace s9  }
0x27: {  	s1 =	sld [smem:$0x3FA9]  }
0x28: {  	s2 =	sld [smem:$0x3FAA]  }
0x29: {  	s4 =	sld [smem:$0x3FAC]  }
0x2a: {  	p0 =	seq.s32 s5, $0x0;
	s5 =	sld [smem:$0x3FAD]  }
0x2b: {  	s6 =	sld [smem:$0x3FAE]  }
0x2c: {  	s7 =	sld [smem:$0x3FAF]  }
0x2d: {  	s3 =	simm.s32 $0x108;
	s8 =	sld [smem:$0x3FB0]  }
0x2e: {  	s3 =	simm.s32 @!p0 $0x1082;
	s9 =	sld [smem:$0x3FB1]  }
0x2f: {  	lr =	sadd.s32 s0, s3;
	s0 =	sld [smem:$0x3FA8]  }
0x30: {  	s3 =	sld [smem:$0x3FAB]  }
0x31: {  	[smem:$0x3FB4] =	sst s10  }
0x32: {  	s10 =	sld [smem:$0x3FB2];
	_ =	sdelay $0x3  }
0x33: {  	p0 =	seq.s32 s10, $0x1;
	s10 =	sld [smem:$0x3FB4];
	_ =	sdelay $0x3  }
0x34: {  	[smem:$0x3FB4] =	sst s10  }
0x35: {  	s10 =	sld [smem:$0x3FB3];
	_ =	sdelay $0x3  }
0x36: {  	p1 =	seq.s32 s10, $0x1;
	s10 =	sld [smem:$0x3FB4];
	_ =	sdelay $0x3  }
0x37: {  	[smem:$0x3FB4] =	sst s10  }
0x38: {  	s10 =	sld [smem:$0x3FB5]  }
0x39: {  	_ = 	snop;
	(pc) =	sbr.ind lr, $3  }
0x3a: {  	_ = 	snop  }
0x3b: {  	_ = 	snop  }
0x3c: {  	p2 =	seq.s32 s10, $0x1;
	s10 =	sld [smem:$0x3FB4]  }
0x3d: {  	_ =	shalt  }
0x3e: {  	_ =	shalt  }
0x3f: {  	_ =	shalt  }
0x40: {  	_ =	shalt  }
0x41: {  	_ =	shalt  }
0x42: {  	_ =	shalt  }
0x43: {  	_ =	shalt  }
0x44: {  	_ =	shalt  }
0x45: {  	_ =	shalt  }
0x46: {  	_ =	shalt  }
0x47: {  	_ =	shalt  }
0x48: {  	_ =	shalt  }
0x49: {  	_ =	shalt  }
0x4a: {  	_ =	shalt  }
0x4b: {  	_ =	shalt  }
0x4c: {  	_ =	shalt  }
0x4d: {  	_ =	shalt  }
0x4e: {  	_ =	shalt  }
0x4f: {  	_ =	shalt  }
0x50: {  	_ =	shalt  }
0x51: {  	_ =	shalt  }
0x52: {  	_ =	shalt  }
0x53: {  	_ =	shalt  }
0x54: {  	_ =	shalt  }
0x55: {  	_ =	shalt  }
0x56: {  	_ =	shalt  }
0x57: {  	_ =	shalt  }
0x58: {  	_ =	shalt  }
0x59: {  	_ =	shalt  }
0x5a: {  	_ =	shalt  }
0x5b: {  	_ =	shalt  }
0x5c: {  	_ =	shalt  }
0x5d: {  	_ =	shalt  }
0x5e: {  	_ =	shalt  }
0x5f: {  	_ =	shalt  }
0x60: {  	_ =	shalt  }
0x61: {  	_ =	shalt  }
0x62: {  	_ =	shalt  }
0x63: {  	_ =	shalt  }
0x64: {  	_ =	shalt  }
0x65: {  	_ =	shalt  }
0x66: {  	_ =	shalt  }
0x67: {  	_ =	shalt  }
0x68: {  	_ =	shalt  }
0x69: {  	_ =	shalt  }
0x6a: {  	_ =	shalt  }
0x6b: {  	_ =	shalt  }
0x6c: {  	_ =	shalt  }
0x6d: {  	_ =	shalt  }
0x6e: {  	_ =	shalt  }
0x6f: {  	_ =	shalt  }
0x70: {  	_ =	shalt  }
0x71: {  	_ =	shalt  }
0x72: {  	_ =	shalt  }
0x73: {  	_ =	shalt  }
0x74: {  	_ =	shalt  }
0x75: {  	_ =	shalt  }
0x76: {  	_ =	shalt  }
0x77: {  	_ =	shalt  }
0x78: {  	_ =	shalt  }
0x79: {  	_ =	shalt  }
0x7a: {  	_ =	shalt  }
0x7b: {  	_ =	shalt  }
0x7c: {  	_ =	shalt  }
0x7d: {  	_ =	shalt  }
0x7e: {  	_ =	shalt  }
0x7f: {  	_ =	shalt  }
0x80: {  	_ =	shalt  }
0x81: {  	_ =	shalt  }
0x82: {  	_ =	shalt  }
0x83: {  	_ =	shalt  }
0x84: {  	_ =	shalt  }
0x85: {  	_ =	shalt  }
0x86: {  	_ =	shalt  }
0x87: {  	_ =	shalt  }
.Lfunc_end0:
.L_simem_size_0:
called_computation_lowered:
.L_overlay_start_0:
0x88: {  	s2 =	sld [smem:$0x3FD9]  }
0x89: {  	s3 =	sld [smem:$0x3FFE];
	_ =	sdelay $0x1  }
0x8a: {  	s1 =	srdreg.scid  }
0x8b: {  	s0 =	sand.u32 $0x1, s1  }
0x8c: {  	s17 =	sshll.u32 s0, $0xA;
	s2 =	sadd.s32 s3, s2  }
0x8d: {  	s2 =	sadd.s32 s2, s17  }
0x8e: {  	[smem:$0x3FC0] =	sst s2  }
0x8f: {  	_ = 	snop  }
0x90: {  	s2 =	sld [smem:$0x3FC9];
	(tm) =	ssettm $0x1  }
0x91: {  	s18 =	sld [smem:$0x3FFB];
	_ =	sdelay $0x3  }
0x92: {  	_ =	strace s18  }
0x93: {  	s3 =	sld [smem:$0x3FFC];
	_ =	sdelay $0x3  }
0x94: {  	_ =	strace s3  }
0x95: {  	s3 =	sld [smem:$0x3FFD];
	_ =	sdelay $0x3  }
0x96: {  	_ =	strace s3  }
0x97: {  	_ =	strace $0x8FFFFFFF  }
0x98: {  	s19 =	sld [smem:$0x3FDB];
	_ =	sdelay $0x1  }
0x99: {  	s4 =	simm.s32 $_scs_section_size  }
0x9a: {  	s5 =	simm.s32 $_size__tile_overlayer_lowered;
	s6 =	simm.s32 $_tile_overlayer_lowered  }
0x9b: {  	s22 =	simm.s32 $0x1BFF;
	s21 =	sshll.u32 s6, $0x1;
	s3 =	sadd.s32 s4, s19  }
0x9c: {  	s7 =	simm.s32 $0x0;
	s20 =	sshll.u32 s5, $0x1;
	s5 =	sadd.s32 s21, s3  }
0x9d: {  	[timem:s7], [sflag:s22] =	dma.local [hbm:s5], s20  }
0x9e: {  	_ =	swait.ge [sflag:s22], s20  }
0x9f: {  	s4 =	ssub.s32 $0x0, s20;
	[sflag:s22] =	ssyncset.done $0x0  }
0xa0: {  	[sflag:s22] =	ssyncadd.s32 s4;
	_ =	sdelay $0x1  }
0xa1: {  	s23 =	simm.s32 $0x1B8B  }
0xa2: {  	_ =	swait.ge [sflag:s23], $0x1  }
0xa3: {  	[sflag:s23] =	ssyncset.done $0x0  }
0xa4: {  	s25 =	simm.s32 $0x1B8E;
	s24 =	sld [smem:$0x3FFE];
	[sflag:s23] =	ssyncadd.s32 $0xFFFFFFFF  }
0xa5: {  	s26 =	simm.s32 $execute0_lowered;
	[smem:$0x3FD2] =	sst s25  }
0xa6: {  	s5 =	sshll.u32 s26, $0x1;
	_ =	strace $0x80000046;
	[dreg:$0x1] =	wrdreg $0xFFFFFFFF  }
0xa7: {  	s28 =	simm.s32 $_size_execute0_lowered;
	s3 =	sadd.s32 s3, s5;
	[dreg:$0x0] =	wrdreg $0x0  }
0xa8: {  	s5 =	sshll.u32 s28, $0x1;
	[dreg:$0x2] =	wrdreg s3  }
0xa9: {  	[dreg:$0x3] =	wrdreg s5  }
0xaa: {  	[dreg:$0x4] =	wrdreg $0xC0  }
0xab: {  	_ =	task [dreg:s7], $0x5FFFF  }
0xac: {  	[dreg:$0x1] =	wrdreg $0xFFFFFFFF  }
0xad: {  	[dreg:$0x0] =	wrdreg $0x60  }
0xae: {  	[dreg:$0x2] =	wrdreg s2  }
0xaf: {  	[dreg:$0x3] =	wrdreg s24  }
0xb0: {  	[dreg:$0x4] =	wrdreg $0x9  }
0xb1: {  	_ =	task.clear_ibuf [dreg:s7], $0x5FFFF;
	_ =	strace $0x90000046  }
0xb2: {  	s29 =	simm.s32 $0x9;
	_ =	strace $0x80000048  }
0xb3: {  	_ =	swait.ge [sflag:s29], $0x1  }
0xb4: {  	[sflag:s29] =	ssyncadd.s32 $0xFFFFFFFF  }
0xb5: {  	_ =	strace $0x90000048  }
0xb6: {  	_ =	sfence  }
0xb7: {  	s30 =	sld [smem:$0x0];
	_ =	sdelay $0x2  }
0xb8: {  	s31 =	sshll.u32 s1, $0xD;
	s1 =	sshrl.u32 s1, $0x2  }
0xb9: {  	s3 =	sand.u32 $0x4000, s31;
	s1 =	sadd.s32 s1, s30  }
0xba: {  	s0 =	sor.u32 s3, s0;
	s1 =	sshll.u32 s1, $0x11  }
0xbb: {  	s0 =	sor.u32 s1, s0  }
0xbc: {  	s0 =	sadd.s32 $0x8F2B, s0  }
0xbd: {  	[sflag:s0] =	ssyncadd.remote.s32 $0x1  }
0xbe: {  	_ =	sfence.sel $0xFFFF  }
0xbf: {  	[dreg:$0x0] =	wrdreg $0xFFFFFFFF;
	(pc) =	sbr.abs _section_cstart, $3  }
0xc0: {  	[dreg:$0x1] =	wrdreg $0xFFFFFFFF  }
0xc1: {  	_ =	task.clear_ibuf [dreg:s7], $0x2FFFF;
	_ =	strace $0x9FFFFFFF  }
0xc2: {  	(tm) =	ssettm $0x7FFFFFFF  }
0xc3: {  	_ =	shalt  }
tec
execute0_lowered:
.L_overlay_start_1:
0x0: {  	(tag) =	ssettag $0x1  }
0x1: {  	s0 =	srdreg.scid  }
0x2: {  	s1 =	stileid.u32;
	s2 =	rddreg [dreg:$0x0]  }
0x3: {  	s4 =	rddreg [dreg:$0x1];
	s3 =	simm.s32 $0x0;
	s7 =	simm.s32 $0x2  }
0x4: {  	s10 =	simm.s32 $0x880;
	s11 =	simm.s32 $0x1080;
	s12 =	simm.s32 $0x1880  }
0x5: {  	s13 =	simm.s32 $0x2080;
	s14 =	simm.s32 $0x2880;
	s15 =	simm.s32 $0x3080  }
0x6: {  	s16 =	simm.s32 $0x3880;
	s17 =	simm.s32 $0x4080;
	s18 =	simm.s32 $0x4880  }
0x7: {  	s19 =	simm.s32 $0x5080;
	s0 =	sand.u32 $0x1, s0;
	s1 =	sshll.u32 s1, $0x1  }
0x8: {  	s20 =	simm.s32 $0x5880;
	s21 =	simm.s32 $0x6080;
	s1 =	sor.u32 s0, s1  }
0x9: {  	s28 =	simm.s32 $0x9080;
	s29 =	simm.s32 $0x9880;
	s1 =	smul.u32 $0x180, s1  }
0xa: {  	s30 =	simm.s32 $0xA080;
	s31 =	simm.s32 $0xA880;
	s0 =	ssub.s32 $0x2, s0  }
0xb: {  	[smem:$0x7FF] =	sst s3;
	s6 =	sshrl.u32 s0, $0x1;
	s1 =	sshrl.u32 s1, $0x3  }
0xc: {  	s0 =	ssub.s32 s0, s6;
	s5 =	smul.u32 $0x300, s1;
	s1 =	sadd.s32 s1, s4  }
0xd: {  	_ =	strace $0x80000047;
	s6 =	smax.u32 s0, $0x1;
	s22 =	sadd.s32 $0x200, s1  }
0xe: {  	s0 =	simm.s32 $0x1;
	s24 =	sadd.s32 $0x210, s1;
	[dreg:$0x3] =	wrdreg s22  }
0xf: {  	s1 =	sadd.s32 $0x220, s1;
	s4 =	sadd.s32 s5, s4;
	[dreg:$0x5] =	wrdreg s24  }
0x10: {  	[dreg:$0x7] =	wrdreg s1;
	s5 =	sadd.s32 $0x200, s2;
	s23 =	sadd.s32 $0x800, s4  }
0x11: {  	s1 =	simm.s32 $0x80;
	s25 =	sadd.s32 $0x3800, s4;
	[dreg:$0x4] =	wrdreg s23  }
0x12: {  	v2 =	vlaneseq.u32;
	s22 =	simm.s32 $0x6880;
	s26 =	sadd.s32 $0x6800, s4;
	[dreg:$0x6] =	wrdreg s25  }
0x13: {  	vm0 =	vmmov $0xffff;
	v1 =	vshrl.u32 v2, $0x3;
	s24 =	simm.s32 $0x7880;
	s4 =	sadd.s32 $0x100, s2;
	[dreg:$0x8] =	wrdreg s26  }
0x14: {  	v0 =	vand.u32 $0x7, v2;
	v2 =	vor.u32 $0x8, v2;
	v1 =	vmul.u32 $0x8, v1;
	s23 =	simm.s32 $0x7080;
	s25 =	simm.s32 $0x8080;
	s26 =	simm.s32 $0x8880  }
.LBB2_1:
0x15: {  	s9 =	rddreg [dreg:$0x3]  }
0x16: {  	[tilespmem:s3], [sflag:$0x2] =	stream.linear.gather [hbm4b:s9+s3], $0x80, $0x38;
	[tilespmem:$0x18080] =	vst v63  }
0x17: {  	_ =	swait.ge [sflag:s7], $0x80  }
0x18: {  	[sflag:s7] =	ssyncset.done $0x0  }
0x19: {  	[sflag:s7] =	ssyncadd.s32 $0xFFFFFF80  }
0x1a: {  	v3 =	vld [tilespmem:$0x0];
	_ =	sdelay $0x4  }
0x1b: {  	v4 =	vshrl.u32 v3, $0x3  }
0x1c: {  	v4 =	vmul.u32 $0x30, v4  }
0x1d: {  	v3 =	vand.u32 $0x7, v3  }
0x1e: {  	v3 =	vor.u32 v3, v4  }
0x1f: {  	v4 =	vperm.xlane v3, v0;
	_ =	sdelay $0x1  }
0x20: {  	v4 =	vadd.s32 v1, v4;
	_ =	sdelay $0x3  }
0x21: {  	v3 =	vperm.xlane v3, v2  }
0x22: {  	[tilespmem:s1], [sflag:$0x1] =	stream.indirect_vreg.gather [hbm4b:s2+s3], $0x80, v4, vm0, $0xb8;
	[tilespmem:$0x18080] =	vst v63  }
0x23: {  	v3 =	vadd.s32 v1, v3  }
0x24: {  	[tilespmem:s10], [sflag:$0x1] =	stream.indirect_vreg.gather [hbm4b:s4+s3], $0x80, v4, vm0, $0xb8;
	[tilespmem:$0x18080] =	vst v63  }
0x25: {  	_ = 	snop  }
0x26: {  	[tilespmem:s11], [sflag:$0x1] =	stream.indirect_vreg.gather [hbm4b:s5+s3], $0x80, v4, vm0, $0xb8;
	[tilespmem:$0x18080] =	vst v63  }
0x27: {  	_ = 	snop  }
0x28: {  	[tilespmem:s12], [sflag:$0x1] =	stream.indirect_vreg.gather [hbm4b:s2+s3], $0x80, v3, vm0, $0xb8;
	[tilespmem:$0x18080] =	vst v63  }
0x29: {  	_ = 	snop  }
0x2a: {  	[tilespmem:s13], [sflag:$0x1] =	stream.indirect_vreg.gather [hbm4b:s4+s3], $0x80, v3, vm0, $0xb8;
	[tilespmem:$0x18080] =	vst v63  }
0x2b: {  	_ = 	snop  }
0x2c: {  	[tilespmem:s14], [sflag:$0x1] =	stream.indirect_vreg.gather [hbm4b:s5+s3], $0x80, v3, vm0, $0xb8;
	[tilespmem:$0x18080] =	vst v63  }
0x2d: {  	v3 =	vld [tilespmem:$0x10];
	_ =	sdelay $0x4  }
0x2e: {  	v41 =	vshrl.u32 v3, $0x3  }
0x2f: {  	v4 =	vmul.u32 $0x30, v41  }
0x30: {  	v3 =	vand.u32 $0x7, v3  }
0x31: {  	v3 =	vor.u32 v3, v4  }
0x32: {  	v4 =	vperm.xlane v3, v0;
	_ =	sdelay $0x1  }
0x33: {  	v4 =	vadd.s32 v1, v4;
	_ =	sdelay $0x3  }
0x34: {  	v3 =	vperm.xlane v3, v2  }
0x35: {  	[tilespmem:s15], [sflag:$0x1] =	stream.indirect_vreg.gather [hbm4b:s2+s3], $0x80, v4, vm0, $0xb8;
	[tilespmem:$0x18080] =	vst v63  }
0x36: {  	v3 =	vadd.s32 v1, v3  }
0x37: {  	[tilespmem:s16], [sflag:$0x1] =	stream.indirect_vreg.gather [hbm4b:s4+s3], $0x80, v4, vm0, $0xb8;
	[tilespmem:$0x18080] =	vst v63  }
0x38: {  	_ = 	snop  }
0x39: {  	[tilespmem:s17], [sflag:$0x1] =	stream.indirect_vreg.gather [hbm4b:s5+s3], $0x80, v4, vm0, $0xb8;
	[tilespmem:$0x18080] =	vst v63  }
0x3a: {  	_ = 	snop  }
0x3b: {  	[tilespmem:s18], [sflag:$0x1] =	stream.indirect_vreg.gather [hbm4b:s2+s3], $0x80, v3, vm0, $0xb8;
	[tilespmem:$0x18080] =	vst v63  }
0x3c: {  	_ = 	snop  }
0x3d: {  	[tilespmem:s19], [sflag:$0x1] =	stream.indirect_vreg.gather [hbm4b:s4+s3], $0x80, v3, vm0, $0xb8;
	[tilespmem:$0x18080] =	vst v63  }
0x3e: {  	_ = 	snop  }
0x3f: {  	[tilespmem:s20], [sflag:$0x1] =	stream.indirect_vreg.gather [hbm4b:s5+s3], $0x80, v3, vm0, $0xb8;
	[tilespmem:$0x18080] =	vst v63  }
0x40: {  	v3 =	vld [tilespmem:$0x20];
	_ =	sdelay $0x4  }
0x41: {  	v42 =	vshrl.u32 v3, $0x3  }
0x42: {  	v4 =	vmul.u32 $0x30, v42  }
0x43: {  	v3 =	vand.u32 $0x7, v3  }
0x44: {  	v3 =	vor.u32 v3, v4  }
0x45: {  	v4 =	vperm.xlane v3, v0;
	_ =	sdelay $0x1  }
0x46: {  	v4 =	vadd.s32 v1, v4;
	_ =	sdelay $0x3  }
0x47: {  	v3 =	vperm.xlane v3, v2  }
0x48: {  	[tilespmem:s21], [sflag:$0x1] =	stream.indirect_vreg.gather [hbm4b:s2+s3], $0x80, v4, vm0, $0xb8;
	[tilespmem:$0x18080] =	vst v63  }
0x49: {  	v3 =	vadd.s32 v1, v3  }
0x4a: {  	[tilespmem:s22], [sflag:$0x1] =	stream.indirect_vreg.gather [hbm4b:s4+s3], $0x80, v4, vm0, $0xb8;
	[tilespmem:$0x18080] =	vst v63  }
0x4b: {  	_ = 	snop  }
0x4c: {  	[tilespmem:s23], [sflag:$0x1] =	stream.indirect_vreg.gather [hbm4b:s5+s3], $0x80, v4, vm0, $0xb8;
	[tilespmem:$0x18080] =	vst v63  }
0x4d: {  	_ = 	snop  }
0x4e: {  	[tilespmem:s24], [sflag:$0x1] =	stream.indirect_vreg.gather [hbm4b:s2+s3], $0x80, v3, vm0, $0xb8;
	[tilespmem:$0x18080] =	vst v63  }
0x4f: {  	_ = 	snop  }
0x50: {  	[tilespmem:s25], [sflag:$0x1] =	stream.indirect_vreg.gather [hbm4b:s4+s3], $0x80, v3, vm0, $0xb8;
	[tilespmem:$0x18080] =	vst v63  }
0x51: {  	_ = 	snop  }
0x52: {  	[tilespmem:s26], [sflag:$0x1] =	stream.indirect_vreg.gather [hbm4b:s5+s3], $0x80, v3, vm0, $0xb8;
	[tilespmem:$0x18080] =	vst v63  }
0x53: {  	v3 =	vld [tilespmem:$0x30];
	_ =	sdelay $0x4  }
0x54: {  	v43 =	vshrl.u32 v3, $0x3  }
0x55: {  	v4 =	vmul.u32 $0x30, v43  }
0x56: {  	v3 =	vand.u32 $0x7, v3  }
0x57: {  	v3 =	vor.u32 v3, v4  }
0x58: {  	v4 =	vperm.xlane v3, v0;
	_ =	sdelay $0x1  }
0x59: {  	v4 =	vadd.s32 v1, v4;
	_ =	sdelay $0x3  }
0x5a: {  	v3 =	vperm.xlane v3, v2  }
0x5b: {  	[tilespmem:s28], [sflag:$0x1] =	stream.indirect_vreg.gather [hbm4b:s2+s3], $0x80, v4, vm0, $0xb8;
	[tilespmem:$0x18080] =	vst v63  }
0x5c: {  	v3 =	vadd.s32 v1, v3  }
0x5d: {  	[tilespmem:s29], [sflag:$0x1] =	stream.indirect_vreg.gather [hbm4b:s4+s3], $0x80, v4, vm0, $0xb8;
	[tilespmem:$0x18080] =	vst v63  }
0x5e: {  	_ = 	snop  }
0x5f: {  	[tilespmem:s30], [sflag:$0x1] =	stream.indirect_vreg.gather [hbm4b:s5+s3], $0x80, v4, vm0, $0xb8;
	[tilespmem:$0x18080] =	vst v63  }
0x60: {  	_ = 	snop  }
0x61: {  	[tilespmem:s31], [sflag:$0x1] =	stream.indirect_vreg.gather [hbm4b:s2+s3], $0x80, v3, vm0, $0xb8;
	[tilespmem:$0x18080] =	vst v63  }
0x62: {  	s8 =	simm.s32 $0xB080  }
0x63: {  	[tilespmem:s8], [sflag:$0x1] =	stream.indirect_vreg.gather [hbm4b:s4+s3], $0x80, v3, vm0, $0xb8;
	[tilespmem:$0x18080] =	vst v63  }
0x64: {  	s8 =	simm.s32 $0xB880  }
0x65: {  	[tilespmem:s8], [sflag:$0x1] =	stream.indirect_vreg.gather [hbm4b:s5+s3], $0x80, v3, vm0, $0xb8;
	[tilespmem:$0x18080] =	vst v63  }
0x66: {  	v3 =	vld [tilespmem:$0x40];
	_ =	sdelay $0x4  }
0x67: {  	v44 =	vshrl.u32 v3, $0x3  }
0x68: {  	v4 =	vmul.u32 $0x30, v44  }
0x69: {  	v3 =	vand.u32 $0x7, v3  }
0x6a: {  	v3 =	vor.u32 v3, v4  }
0x6b: {  	v4 =	vperm.xlane v3, v0;
	_ =	sdelay $0x1  }
0x6c: {  	v4 =	vadd.s32 v1, v4;
	_ =	sdelay $0x3  }
0x6d: {  	s9 =	simm.s32 $0xC080;
	v3 =	vperm.xlane v3, v2  }
0x6e: {  	[tilespmem:s9], [sflag:$0x1] =	stream.indirect_vreg.gather [hbm4b:s2+s3], $0x80, v4, vm0, $0xb8;
	[tilespmem:$0x18080] =	vst v63  }
0x6f: {  	v3 =	vadd.s32 v1, v3;
	s9 =	simm.s32 $0xC880  }
0x70: {  	[tilespmem:s9], [sflag:$0x1] =	stream.indirect_vreg.gather [hbm4b:s4+s3], $0x80, v4, vm0, $0xb8;
	[tilespmem:$0x18080] =	vst v63  }
0x71: {  	s9 =	simm.s32 $0xD080  }
0x72: {  	[tilespmem:s9], [sflag:$0x1] =	stream.indirect_vreg.gather [hbm4b:s5+s3], $0x80, v4, vm0, $0xb8;
	[tilespmem:$0x18080] =	vst v63  }
0x73: {  	s9 =	simm.s32 $0xD880  }
0x74: {  	[tilespmem:s9], [sflag:$0x1] =	stream.indirect_vreg.gather [hbm4b:s2+s3], $0x80, v3, vm0, $0xb8;
	[tilespmem:$0x18080] =	vst v63  }
0x75: {  	s9 =	simm.s32 $0xE080  }
0x76: {  	[tilespmem:s9], [sflag:$0x1] =	stream.indirect_vreg.gather [hbm4b:s4+s3], $0x80, v3, vm0, $0xb8;
	[tilespmem:$0x18080] =	vst v63  }
0x77: {  	s9 =	simm.s32 $0xE880  }
0x78: {  	[tilespmem:s9], [sflag:$0x1] =	stream.indirect_vreg.gather [hbm4b:s5+s3], $0x80, v3, vm0, $0xb8;
	[tilespmem:$0x18080] =	vst v63  }
0x79: {  	v3 =	vld [tilespmem:$0x50];
	_ =	sdelay $0x4  }
0x7a: {  	v45 =	vshrl.u32 v3, $0x3  }
0x7b: {  	v4 =	vmul.u32 $0x30, v45  }
0x7c: {  	v3 =	vand.u32 $0x7, v3  }
0x7d: {  	v3 =	vor.u32 v3, v4  }
0x7e: {  	v4 =	vperm.xlane v3, v0;
	_ =	sdelay $0x1  }
0x7f: {  	v4 =	vadd.s32 v1, v4;
	_ =	sdelay $0x3  }
0x80: {  	s9 =	simm.s32 $0xF080;
	v3 =	vperm.xlane v3, v2  }
0x81: {  	[tilespmem:s9], [sflag:$0x1] =	stream.indirect_vreg.gather [hbm4b:s2+s3], $0x80, v4, vm0, $0xb8;
	[tilespmem:$0x18080] =	vst v63  }
0x82: {  	v3 =	vadd.s32 v1, v3;
	s9 =	simm.s32 $0xF880  }
0x83: {  	[tilespmem:s9], [sflag:$0x1] =	stream.indirect_vreg.gather [hbm4b:s4+s3], $0x80, v4, vm0, $0xb8;
	[tilespmem:$0x18080] =	vst v63  }
0x84: {  	s9 =	simm.s32 $0x10080  }
0x85: {  	[tilespmem:s9], [sflag:$0x1] =	stream.indirect_vreg.gather [hbm4b:s5+s3], $0x80, v4, vm0, $0xb8;
	[tilespmem:$0x18080] =	vst v63  }
0x86: {  	s9 =	simm.s32 $0x10880  }
0x87: {  	[tilespmem:s9], [sflag:$0x1] =	stream.indirect_vreg.gather [hbm4b:s2+s3], $0x80, v3, vm0, $0xb8;
	[tilespmem:$0x18080] =	vst v63  }
0x88: {  	s9 =	simm.s32 $0x11080  }
0x89: {  	[tilespmem:s9], [sflag:$0x1] =	stream.indirect_vreg.gather [hbm4b:s4+s3], $0x80, v3, vm0, $0xb8;
	[tilespmem:$0x18080] =	vst v63  }
0x8a: {  	s9 =	simm.s32 $0x11880  }
0x8b: {  	[tilespmem:s9], [sflag:$0x1] =	stream.indirect_vreg.gather [hbm4b:s5+s3], $0x80, v3, vm0, $0xb8;
	[tilespmem:$0x18080] =	vst v63  }
0x8c: {  	v3 =	vld [tilespmem:$0x60];
	_ =	sdelay $0x4  }
0x8d: {  	v46 =	vshrl.u32 v3, $0x3  }
0x8e: {  	v4 =	vmul.u32 $0x30, v46  }
0x8f: {  	v3 =	vand.u32 $0x7, v3  }
0x90: {  	v3 =	vor.u32 v3, v4  }
0x91: {  	v4 =	vperm.xlane v3, v0;
	_ =	sdelay $0x1  }
0x92: {  	v4 =	vadd.s32 v1, v4;
	_ =	sdelay $0x3  }
0x93: {  	s9 =	simm.s32 $0x12080;
	v3 =	vperm.xlane v3, v2  }
0x94: {  	[tilespmem:s9], [sflag:$0x1] =	stream.indirect_vreg.gather [hbm4b:s2+s3], $0x80, v4, vm0, $0xb8;
	[tilespmem:$0x18080] =	vst v63  }
0x95: {  	v3 =	vadd.s32 v1, v3;
	s9 =	simm.s32 $0x12880  }
0x96: {  	[tilespmem:s9], [sflag:$0x1] =	stream.indirect_vreg.gather [hbm4b:s4+s3], $0x80, v4, vm0, $0xb8;
	[tilespmem:$0x18080] =	vst v63  }
0x97: {  	s9 =	simm.s32 $0x13080  }
0x98: {  	[tilespmem:s9], [sflag:$0x1] =	stream.indirect_vreg.gather [hbm4b:s5+s3], $0x80, v4, vm0, $0xb8;
	[tilespmem:$0x18080] =	vst v63  }
0x99: {  	s9 =	simm.s32 $0x13880  }
0x9a: {  	[tilespmem:s9], [sflag:$0x1] =	stream.indirect_vreg.gather [hbm4b:s2+s3], $0x80, v3, vm0, $0xb8;
	[tilespmem:$0x18080] =	vst v63  }
0x9b: {  	s9 =	simm.s32 $0x14080  }
0x9c: {  	[tilespmem:s9], [sflag:$0x1] =	stream.indirect_vreg.gather [hbm4b:s4+s3], $0x80, v3, vm0, $0xb8;
	[tilespmem:$0x18080] =	vst v63  }
0x9d: {  	s9 =	simm.s32 $0x14880  }
0x9e: {  	[tilespmem:s9], [sflag:$0x1] =	stream.indirect_vreg.gather [hbm4b:s5+s3], $0x80, v3, vm0, $0xb8;
	[tilespmem:$0x18080] =	vst v63  }
0x9f: {  	v3 =	vld [tilespmem:$0x70];
	_ =	sdelay $0x4  }
0xa0: {  	v47 =	vshrl.u32 v3, $0x3  }
0xa1: {  	v4 =	vmul.u32 $0x30, v47  }
0xa2: {  	v3 =	vand.u32 $0x7, v3  }
0xa3: {  	v3 =	vor.u32 v3, v4  }
0xa4: {  	v4 =	vperm.xlane v3, v0;
	_ =	sdelay $0x1  }
0xa5: {  	v4 =	vadd.s32 v1, v4;
	_ =	sdelay $0x3  }
0xa6: {  	s9 =	simm.s32 $0x15080;
	v3 =	vperm.xlane v3, v2  }
0xa7: {  	[tilespmem:s9], [sflag:$0x1] =	stream.indirect_vreg.gather [hbm4b:s2+s3], $0x80, v4, vm0, $0xb8;
	[tilespmem:$0x18080] =	vst v63  }
0xa8: {  	v3 =	vadd.s32 v1, v3;
	s9 =	simm.s32 $0x15880  }
0xa9: {  	[tilespmem:s9], [sflag:$0x1] =	stream.indirect_vreg.gather [hbm4b:s4+s3], $0x80, v4, vm0, $0xb8;
	[tilespmem:$0x18080] =	vst v63  }
0xaa: {  	s9 =	simm.s32 $0x16080  }
0xab: {  	[tilespmem:s9], [sflag:$0x1] =	stream.indirect_vreg.gather [hbm4b:s5+s3], $0x80, v4, vm0, $0xb8;
	[tilespmem:$0x18080] =	vst v63  }
0xac: {  	s9 =	simm.s32 $0x16880  }
0xad: {  	[tilespmem:s9], [sflag:$0x1] =	stream.indirect_vreg.gather [hbm4b:s2+s3], $0x80, v3, vm0, $0xb8;
	[tilespmem:$0x18080] =	vst v63  }
0xae: {  	s9 =	simm.s32 $0x17080  }
0xaf: {  	[tilespmem:s9], [sflag:$0x1] =	stream.indirect_vreg.gather [hbm4b:s4+s3], $0x80, v3, vm0, $0xb8;
	[tilespmem:$0x18080] =	vst v63  }
0xb0: {  	s9 =	simm.s32 $0x17880  }
0xb1: {  	[tilespmem:s9], [sflag:$0x1] =	stream.indirect_vreg.gather [hbm4b:s5+s3], $0x80, v3, vm0, $0xb8;
	[tilespmem:$0x18080] =	vst v63  }
0xb2: {  	_ =	swait.ge [sflag:s0], $0x18000  }
0xb3: {  	[sflag:s0] =	ssyncset.done $0x0  }
0xb4: {  	s9 =	rddreg [dreg:$0x4];
	[sflag:s0] =	ssyncadd.s32 $0xFFFE8000  }
0xb5: {  	[hbm4b:s9+s3] =	stream.linear.scatter [tilespmem:s1], [sflag:$0x2], $0x18000, $0x38;
	[tilespmem:$0x18080] =	vst v63  }
0xb6: {  	_ =	swait.ge [sflag:s7], $0x18000  }
0xb7: {  	[sflag:s7] =	ssyncset.done $0x0  }
0xb8: {  	s9 =	rddreg [dreg:$0x5];
	[sflag:s7] =	ssyncadd.s32 $0xFFFE8000  }
0xb9: {  	[tilespmem:s3], [sflag:$0x2] =	stream.linear.gather [hbm4b:s9+s3], $0x80, $0x38;
	[tilespmem:$0x18080] =	vst v63  }
0xba: {  	_ =	swait.ge [sflag:s7], $0x80  }
0xbb: {  	[sflag:s7] =	ssyncset.done $0x0  }
0xbc: {  	[sflag:s7] =	ssyncadd.s32 $0xFFFFFF80  }
0xbd: {  	v3 =	vld [tilespmem:$0x0];
	_ =	sdelay $0x4  }
0xbe: {  	v48 =	vshrl.u32 v3, $0x3  }
0xbf: {  	v4 =	vmul.u32 $0x30, v48  }
0xc0: {  	v3 =	vand.u32 $0x7, v3  }
0xc1: {  	v3 =	vor.u32 v3, v4  }
0xc2: {  	v4 =	vperm.xlane v3, v0;
	_ =	sdelay $0x1  }
0xc3: {  	v4 =	vadd.s32 v1, v4;
	_ =	sdelay $0x3  }
0xc4: {  	v3 =	vperm.xlane v3, v2  }
0xc5: {  	[tilespmem:s1], [sflag:$0x1] =	stream.indirect_vreg.gather [hbm4b:s2+s3], $0x80, v4, vm0, $0xb8;
	[tilespmem:$0x18080] =	vst v63  }
0xc6: {  	v3 =	vadd.s32 v1, v3  }
0xc7: {  	[tilespmem:s10], [sflag:$0x1] =	stream.indirect_vreg.gather [hbm4b:s4+s3], $0x80, v4, vm0, $0xb8;
	[tilespmem:$0x18080] =	vst v63  }
0xc8: {  	_ = 	snop  }
0xc9: {  	[tilespmem:s11], [sflag:$0x1] =	stream.indirect_vreg.gather [hbm4b:s5+s3], $0x80, v4, vm0, $0xb8;
	[tilespmem:$0x18080] =	vst v63  }
0xca: {  	_ = 	snop  }
0xcb: {  	[tilespmem:s12], [sflag:$0x1] =	stream.indirect_vreg.gather [hbm4b:s2+s3], $0x80, v3, vm0, $0xb8;
	[tilespmem:$0x18080] =	vst v63  }
0xcc: {  	_ = 	snop  }
0xcd: {  	[tilespmem:s13], [sflag:$0x1] =	stream.indirect_vreg.gather [hbm4b:s4+s3], $0x80, v3, vm0, $0xb8;
	[tilespmem:$0x18080] =	vst v63  }
0xce: {  	_ = 	snop  }
0xcf: {  	[tilespmem:s14], [sflag:$0x1] =	stream.indirect_vreg.gather [hbm4b:s5+s3], $0x80, v3, vm0, $0xb8;
	[tilespmem:$0x18080] =	vst v63  }
0xd0: {  	v3 =	vld [tilespmem:$0x10];
	_ =	sdelay $0x4  }
0xd1: {  	v49 =	vshrl.u32 v3, $0x3  }
0xd2: {  	v4 =	vmul.u32 $0x30, v49  }
0xd3: {  	v3 =	vand.u32 $0x7, v3  }
0xd4: {  	v3 =	vor.u32 v3, v4  }
0xd5: {  	v4 =	vperm.xlane v3, v0;
	_ =	sdelay $0x1  }
0xd6: {  	v4 =	vadd.s32 v1, v4;
	_ =	sdelay $0x3  }
0xd7: {  	v3 =	vperm.xlane v3, v2  }
0xd8: {  	[tilespmem:s15], [sflag:$0x1] =	stream.indirect_vreg.gather [hbm4b:s2+s3], $0x80, v4, vm0, $0xb8;
	[tilespmem:$0x18080] =	vst v63  }
0xd9: {  	v3 =	vadd.s32 v1, v3  }
0xda: {  	[tilespmem:s16], [sflag:$0x1] =	stream.indirect_vreg.gather [hbm4b:s4+s3], $0x80, v4, vm0, $0xb8;
	[tilespmem:$0x18080] =	vst v63  }
0xdb: {  	_ = 	snop  }
0xdc: {  	[tilespmem:s17], [sflag:$0x1] =	stream.indirect_vreg.gather [hbm4b:s5+s3], $0x80, v4, vm0, $0xb8;
	[tilespmem:$0x18080] =	vst v63  }
0xdd: {  	_ = 	snop  }
0xde: {  	[tilespmem:s18], [sflag:$0x1] =	stream.indirect_vreg.gather [hbm4b:s2+s3], $0x80, v3, vm0, $0xb8;
	[tilespmem:$0x18080] =	vst v63  }
0xdf: {  	_ = 	snop  }
0xe0: {  	[tilespmem:s19], [sflag:$0x1] =	stream.indirect_vreg.gather [hbm4b:s4+s3], $0x80, v3, vm0, $0xb8;
	[tilespmem:$0x18080] =	vst v63  }
0xe1: {  	_ = 	snop  }
0xe2: {  	[tilespmem:s20], [sflag:$0x1] =	stream.indirect_vreg.gather [hbm4b:s5+s3], $0x80, v3, vm0, $0xb8;
	[tilespmem:$0x18080] =	vst v63  }
0xe3: {  	v3 =	vld [tilespmem:$0x20];
	_ =	sdelay $0x4  }
0xe4: {  	v50 =	vshrl.u32 v3, $0x3  }
0xe5: {  	v4 =	vmul.u32 $0x30, v50  }
0xe6: {  	v3 =	vand.u32 $0x7, v3  }
0xe7: {  	v3 =	vor.u32 v3, v4  }
0xe8: {  	v4 =	vperm.xlane v3, v0;
	_ =	sdelay $0x1  }
0xe9: {  	v4 =	vadd.s32 v1, v4;
	_ =	sdelay $0x3  }
0xea: {  	v3 =	vperm.xlane v3, v2  }
0xeb: {  	[tilespmem:s21], [sflag:$0x1] =	stream.indirect_vreg.gather [hbm4b:s2+s3], $0x80, v4, vm0, $0xb8;
	[tilespmem:$0x18080] =	vst v63  }
0xec: {  	v3 =	vadd.s32 v1, v3  }
0xed: {  	[tilespmem:s22], [sflag:$0x1] =	stream.indirect_vreg.gather [hbm4b:s4+s3], $0x80, v4, vm0, $0xb8;
	[tilespmem:$0x18080] =	vst v63  }
0xee: {  	_ = 	snop  }
0xef: {  	[tilespmem:s23], [sflag:$0x1] =	stream.indirect_vreg.gather [hbm4b:s5+s3], $0x80, v4, vm0, $0xb8;
	[tilespmem:$0x18080] =	vst v63  }
0xf0: {  	_ = 	snop  }
0xf1: {  	[tilespmem:s24], [sflag:$0x1] =	stream.indirect_vreg.gather [hbm4b:s2+s3], $0x80, v3, vm0, $0xb8;
	[tilespmem:$0x18080] =	vst v63  }
0xf2: {  	_ = 	snop  }
0xf3: {  	[tilespmem:s25], [sflag:$0x1] =	stream.indirect_vreg.gather [hbm4b:s4+s3], $0x80, v3, vm0, $0xb8;
	[tilespmem:$0x18080] =	vst v63  }
0xf4: {  	_ = 	snop  }
0xf5: {  	[tilespmem:s26], [sflag:$0x1] =	stream.indirect_vreg.gather [hbm4b:s5+s3], $0x80, v3, vm0, $0xb8;
	[tilespmem:$0x18080] =	vst v63  }
0xf6: {  	v3 =	vld [tilespmem:$0x30];
	_ =	sdelay $0x4  }
0xf7: {  	v51 =	vshrl.u32 v3, $0x3  }
0xf8: {  	v4 =	vmul.u32 $0x30, v51  }
0xf9: {  	v3 =	vand.u32 $0x7, v3  }
0xfa: {  	v3 =	vor.u32 v3, v4  }
0xfb: {  	v4 =	vperm.xlane v3, v0;
	_ =	sdelay $0x1  }
0xfc: {  	v4 =	vadd.s32 v1, v4;
	_ =	sdelay $0x3  }
0xfd: {  	v3 =	vperm.xlane v3, v2  }
0xfe: {  	[tilespmem:s28], [sflag:$0x1] =	stream.indirect_vreg.gather [hbm4b:s2+s3], $0x80, v4, vm0, $0xb8;
	[tilespmem:$0x18080] =	vst v63  }
0xff: {  	v3 =	vadd.s32 v1, v3  }
0x100: {  	[tilespmem:s29], [sflag:$0x1] =	stream.indirect_vreg.gather [hbm4b:s4+s3], $0x80, v4, vm0, $0xb8;
	[tilespmem:$0x18080] =	vst v63  }
0x101: {  	_ = 	snop  }
0x102: {  	[tilespmem:s30], [sflag:$0x1] =	stream.indirect_vreg.gather [hbm4b:s5+s3], $0x80, v4, vm0, $0xb8;
	[tilespmem:$0x18080] =	vst v63  }
0x103: {  	_ = 	snop  }
0x104: {  	[tilespmem:s31], [sflag:$0x1] =	stream.indirect_vreg.gather [hbm4b:s2+s3], $0x80, v3, vm0, $0xb8;
	[tilespmem:$0x18080] =	vst v63  }
0x105: {  	s9 =	simm.s32 $0xB080  }
0x106: {  	[tilespmem:s9], [sflag:$0x1] =	stream.indirect_vreg.gather [hbm4b:s4+s3], $0x80, v3, vm0, $0xb8;
	[tilespmem:$0x18080] =	vst v63  }
0x107: {  	_ = 	snop  }
0x108: {  	[tilespmem:s8], [sflag:$0x1] =	stream.indirect_vreg.gather [hbm4b:s5+s3], $0x80, v3, vm0, $0xb8;
	[tilespmem:$0x18080] =	vst v63  }
0x109: {  	v3 =	vld [tilespmem:$0x40];
	_ =	sdelay $0x4  }
0x10a: {  	v52 =	vshrl.u32 v3, $0x3  }
0x10b: {  	v4 =	vmul.u32 $0x30, v52  }
0x10c: {  	v3 =	vand.u32 $0x7, v3  }
0x10d: {  	v3 =	vor.u32 v3, v4  }
0x10e: {  	v4 =	vperm.xlane v3, v0;
	_ =	sdelay $0x1  }
0x10f: {  	v4 =	vadd.s32 v1, v4;
	_ =	sdelay $0x3  }
0x110: {  	s9 =	simm.s32 $0xC080;
	v3 =	vperm.xlane v3, v2  }
0x111: {  	[tilespmem:s9], [sflag:$0x1] =	stream.indirect_vreg.gather [hbm4b:s2+s3], $0x80, v4, vm0, $0xb8;
	[tilespmem:$0x18080] =	vst v63  }
0x112: {  	v3 =	vadd.s32 v1, v3;
	s9 =	simm.s32 $0xC880  }
0x113: {  	[tilespmem:s9], [sflag:$0x1] =	stream.indirect_vreg.gather [hbm4b:s4+s3], $0x80, v4, vm0, $0xb8;
	[tilespmem:$0x18080] =	vst v63  }
0x114: {  	s9 =	simm.s32 $0xD080  }
0x115: {  	[tilespmem:s9], [sflag:$0x1] =	stream.indirect_vreg.gather [hbm4b:s5+s3], $0x80, v4, vm0, $0xb8;
	[tilespmem:$0x18080] =	vst v63  }
0x116: {  	s9 =	simm.s32 $0xD880  }
0x117: {  	[tilespmem:s9], [sflag:$0x1] =	stream.indirect_vreg.gather [hbm4b:s2+s3], $0x80, v3, vm0, $0xb8;
	[tilespmem:$0x18080] =	vst v63  }
0x118: {  	s9 =	simm.s32 $0xE080  }
0x119: {  	[tilespmem:s9], [sflag:$0x1] =	stream.indirect_vreg.gather [hbm4b:s4+s3], $0x80, v3, vm0, $0xb8;
	[tilespmem:$0x18080] =	vst v63  }
0x11a: {  	s9 =	simm.s32 $0xE880  }
0x11b: {  	[tilespmem:s9], [sflag:$0x1] =	stream.indirect_vreg.gather [hbm4b:s5+s3], $0x80, v3, vm0, $0xb8;
	[tilespmem:$0x18080] =	vst v63  }
0x11c: {  	v3 =	vld [tilespmem:$0x50];
	_ =	sdelay $0x4  }
0x11d: {  	v53 =	vshrl.u32 v3, $0x3  }
0x11e: {  	v4 =	vmul.u32 $0x30, v53  }
0x11f: {  	v3 =	vand.u32 $0x7, v3  }
0x120: {  	v3 =	vor.u32 v3, v4  }
0x121: {  	v4 =	vperm.xlane v3, v0;
	_ =	sdelay $0x1  }
0x122: {  	v4 =	vadd.s32 v1, v4;
	_ =	sdelay $0x3  }
0x123: {  	s9 =	simm.s32 $0xF080;
	v3 =	vperm.xlane v3, v2  }
0x124: {  	[tilespmem:s9], [sflag:$0x1] =	stream.indirect_vreg.gather [hbm4b:s2+s3], $0x80, v4, vm0, $0xb8;
	[tilespmem:$0x18080] =	vst v63  }
0x125: {  	v3 =	vadd.s32 v1, v3;
	s9 =	simm.s32 $0xF880  }
0x126: {  	[tilespmem:s9], [sflag:$0x1] =	stream.indirect_vreg.gather [hbm4b:s4+s3], $0x80, v4, vm0, $0xb8;
	[tilespmem:$0x18080] =	vst v63  }
0x127: {  	s9 =	simm.s32 $0x10080  }
0x128: {  	[tilespmem:s9], [sflag:$0x1] =	stream.indirect_vreg.gather [hbm4b:s5+s3], $0x80, v4, vm0, $0xb8;
	[tilespmem:$0x18080] =	vst v63  }
0x129: {  	s9 =	simm.s32 $0x10880  }
0x12a: {  	[tilespmem:s9], [sflag:$0x1] =	stream.indirect_vreg.gather [hbm4b:s2+s3], $0x80, v3, vm0, $0xb8;
	[tilespmem:$0x18080] =	vst v63  }
0x12b: {  	s9 =	simm.s32 $0x11080  }
0x12c: {  	[tilespmem:s9], [sflag:$0x1] =	stream.indirect_vreg.gather [hbm4b:s4+s3], $0x80, v3, vm0, $0xb8;
	[tilespmem:$0x18080] =	vst v63  }
0x12d: {  	s9 =	simm.s32 $0x11880  }
0x12e: {  	[tilespmem:s9], [sflag:$0x1] =	stream.indirect_vreg.gather [hbm4b:s5+s3], $0x80, v3, vm0, $0xb8;
	[tilespmem:$0x18080] =	vst v63  }
0x12f: {  	v3 =	vld [tilespmem:$0x60];
	_ =	sdelay $0x4  }
0x130: {  	v54 =	vshrl.u32 v3, $0x3  }
0x131: {  	v4 =	vmul.u32 $0x30, v54  }
0x132: {  	v3 =	vand.u32 $0x7, v3  }
0x133: {  	v3 =	vor.u32 v3, v4  }
0x134: {  	v4 =	vperm.xlane v3, v0;
	_ =	sdelay $0x1  }
0x135: {  	v4 =	vadd.s32 v1, v4;
	_ =	sdelay $0x3  }
0x136: {  	s9 =	simm.s32 $0x12080;
	v3 =	vperm.xlane v3, v2  }
0x137: {  	[tilespmem:s9], [sflag:$0x1] =	stream.indirect_vreg.gather [hbm4b:s2+s3], $0x80, v4, vm0, $0xb8;
	[tilespmem:$0x18080] =	vst v63  }
0x138: {  	v3 =	vadd.s32 v1, v3;
	s9 =	simm.s32 $0x12880  }
0x139: {  	[tilespmem:s9], [sflag:$0x1] =	stream.indirect_vreg.gather [hbm4b:s4+s3], $0x80, v4, vm0, $0xb8;
	[tilespmem:$0x18080] =	vst v63  }
0x13a: {  	s9 =	simm.s32 $0x13080  }
0x13b: {  	[tilespmem:s9], [sflag:$0x1] =	stream.indirect_vreg.gather [hbm4b:s5+s3], $0x80, v4, vm0, $0xb8;
	[tilespmem:$0x18080] =	vst v63  }
0x13c: {  	s9 =	simm.s32 $0x13880  }
0x13d: {  	[tilespmem:s9], [sflag:$0x1] =	stream.indirect_vreg.gather [hbm4b:s2+s3], $0x80, v3, vm0, $0xb8;
	[tilespmem:$0x18080] =	vst v63  }
0x13e: {  	s9 =	simm.s32 $0x14080  }
0x13f: {  	[tilespmem:s9], [sflag:$0x1] =	stream.indirect_vreg.gather [hbm4b:s4+s3], $0x80, v3, vm0, $0xb8;
	[tilespmem:$0x18080] =	vst v63  }
0x140: {  	s9 =	simm.s32 $0x14880  }
0x141: {  	[tilespmem:s9], [sflag:$0x1] =	stream.indirect_vreg.gather [hbm4b:s5+s3], $0x80, v3, vm0, $0xb8;
	[tilespmem:$0x18080] =	vst v63  }
0x142: {  	v3 =	vld [tilespmem:$0x70];
	_ =	sdelay $0x4  }
0x143: {  	v55 =	vshrl.u32 v3, $0x3  }
0x144: {  	v4 =	vmul.u32 $0x30, v55  }
0x145: {  	v3 =	vand.u32 $0x7, v3  }
0x146: {  	v3 =	vor.u32 v3, v4  }
0x147: {  	v4 =	vperm.xlane v3, v0;
	_ =	sdelay $0x1  }
0x148: {  	v4 =	vadd.s32 v1, v4;
	_ =	sdelay $0x3  }
0x149: {  	s9 =	simm.s32 $0x15080;
	v3 =	vperm.xlane v3, v2  }
0x14a: {  	[tilespmem:s9], [sflag:$0x1] =	stream.indirect_vreg.gather [hbm4b:s2+s3], $0x80, v4, vm0, $0xb8;
	[tilespmem:$0x18080] =	vst v63  }
0x14b: {  	v3 =	vadd.s32 v1, v3;
	s9 =	simm.s32 $0x15880  }
0x14c: {  	[tilespmem:s9], [sflag:$0x1] =	stream.indirect_vreg.gather [hbm4b:s4+s3], $0x80, v4, vm0, $0xb8;
	[tilespmem:$0x18080] =	vst v63  }
0x14d: {  	s9 =	simm.s32 $0x16080  }
0x14e: {  	[tilespmem:s9], [sflag:$0x1] =	stream.indirect_vreg.gather [hbm4b:s5+s3], $0x80, v4, vm0, $0xb8;
	[tilespmem:$0x18080] =	vst v63  }
0x14f: {  	s9 =	simm.s32 $0x16880  }
0x150: {  	[tilespmem:s9], [sflag:$0x1] =	stream.indirect_vreg.gather [hbm4b:s2+s3], $0x80, v3, vm0, $0xb8;
	[tilespmem:$0x18080] =	vst v63  }
0x151: {  	s9 =	simm.s32 $0x17080  }
0x152: {  	[tilespmem:s9], [sflag:$0x1] =	stream.indirect_vreg.gather [hbm4b:s4+s3], $0x80, v3, vm0, $0xb8;
	[tilespmem:$0x18080] =	vst v63  }
0x153: {  	s9 =	simm.s32 $0x17880  }
0x154: {  	[tilespmem:s9], [sflag:$0x1] =	stream.indirect_vreg.gather [hbm4b:s5+s3], $0x80, v3, vm0, $0xb8;
	[tilespmem:$0x18080] =	vst v63  }
0x155: {  	_ =	swait.ge [sflag:s0], $0x18000  }
0x156: {  	[sflag:s0] =	ssyncset.done $0x0  }
0x157: {  	s9 =	rddreg [dreg:$0x6];
	[sflag:s0] =	ssyncadd.s32 $0xFFFE8000  }
0x158: {  	[hbm4b:s9+s3] =	stream.linear.scatter [tilespmem:s1], [sflag:$0x2], $0x18000, $0x38;
	[tilespmem:$0x18080] =	vst v63  }
0x159: {  	_ =	swait.ge [sflag:s7], $0x18000  }
0x15a: {  	[sflag:s7] =	ssyncset.done $0x0  }
0x15b: {  	s9 =	rddreg [dreg:$0x7];
	[sflag:s7] =	ssyncadd.s32 $0xFFFE8000  }
0x15c: {  	[tilespmem:s3], [sflag:$0x2] =	stream.linear.gather [hbm4b:s9+s3], $0x80, $0x38;
	[tilespmem:$0x18080] =	vst v63  }
0x15d: {  	_ =	swait.ge [sflag:s7], $0x80  }
0x15e: {  	[sflag:s7] =	ssyncset.done $0x0  }
0x15f: {  	[sflag:s7] =	ssyncadd.s32 $0xFFFFFF80  }
0x160: {  	v3 =	vld [tilespmem:$0x0];
	_ =	sdelay $0x4  }
0x161: {  	v56 =	vshrl.u32 v3, $0x3  }
0x162: {  	v4 =	vmul.u32 $0x30, v56  }
0x163: {  	v3 =	vand.u32 $0x7, v3  }
0x164: {  	v3 =	vor.u32 v3, v4  }
0x165: {  	v4 =	vperm.xlane v3, v0;
	_ =	sdelay $0x1  }
0x166: {  	v4 =	vadd.s32 v1, v4;
	_ =	sdelay $0x3  }
0x167: {  	v3 =	vperm.xlane v3, v2  }
0x168: {  	[tilespmem:s1], [sflag:$0x1] =	stream.indirect_vreg.gather [hbm4b:s2+s3], $0x80, v4, vm0, $0xb8;
	[tilespmem:$0x18080] =	vst v63  }
0x169: {  	v3 =	vadd.s32 v1, v3  }
0x16a: {  	[tilespmem:s10], [sflag:$0x1] =	stream.indirect_vreg.gather [hbm4b:s4+s3], $0x80, v4, vm0, $0xb8;
	[tilespmem:$0x18080] =	vst v63  }
0x16b: {  	_ = 	snop  }
0x16c: {  	[tilespmem:s11], [sflag:$0x1] =	stream.indirect_vreg.gather [hbm4b:s5+s3], $0x80, v4, vm0, $0xb8;
	[tilespmem:$0x18080] =	vst v63  }
0x16d: {  	_ = 	snop  }
0x16e: {  	[tilespmem:s12], [sflag:$0x1] =	stream.indirect_vreg.gather [hbm4b:s2+s3], $0x80, v3, vm0, $0xb8;
	[tilespmem:$0x18080] =	vst v63  }
0x16f: {  	_ = 	snop  }
0x170: {  	[tilespmem:s13], [sflag:$0x1] =	stream.indirect_vreg.gather [hbm4b:s4+s3], $0x80, v3, vm0, $0xb8;
	[tilespmem:$0x18080] =	vst v63  }
0x171: {  	_ = 	snop  }
0x172: {  	[tilespmem:s14], [sflag:$0x1] =	stream.indirect_vreg.gather [hbm4b:s5+s3], $0x80, v3, vm0, $0xb8;
	[tilespmem:$0x18080] =	vst v63  }
0x173: {  	v3 =	vld [tilespmem:$0x10];
	_ =	sdelay $0x4  }
0x174: {  	v57 =	vshrl.u32 v3, $0x3  }
0x175: {  	v4 =	vmul.u32 $0x30, v57  }
0x176: {  	v3 =	vand.u32 $0x7, v3  }
0x177: {  	v3 =	vor.u32 v3, v4  }
0x178: {  	v4 =	vperm.xlane v3, v0;
	_ =	sdelay $0x1  }
0x179: {  	v4 =	vadd.s32 v1, v4;
	_ =	sdelay $0x3  }
0x17a: {  	v3 =	vperm.xlane v3, v2  }
0x17b: {  	[tilespmem:s15], [sflag:$0x1] =	stream.indirect_vreg.gather [hbm4b:s2+s3], $0x80, v4, vm0, $0xb8;
	[tilespmem:$0x18080] =	vst v63  }
0x17c: {  	v3 =	vadd.s32 v1, v3  }
0x17d: {  	[tilespmem:s16], [sflag:$0x1] =	stream.indirect_vreg.gather [hbm4b:s4+s3], $0x80, v4, vm0, $0xb8;
	[tilespmem:$0x18080] =	vst v63  }
0x17e: {  	_ = 	snop  }
0x17f: {  	[tilespmem:s17], [sflag:$0x1] =	stream.indirect_vreg.gather [hbm4b:s5+s3], $0x80, v4, vm0, $0xb8;
	[tilespmem:$0x18080] =	vst v63  }
0x180: {  	_ = 	snop  }
0x181: {  	[tilespmem:s18], [sflag:$0x1] =	stream.indirect_vreg.gather [hbm4b:s2+s3], $0x80, v3, vm0, $0xb8;
	[tilespmem:$0x18080] =	vst v63  }
0x182: {  	_ = 	snop  }
0x183: {  	[tilespmem:s19], [sflag:$0x1] =	stream.indirect_vreg.gather [hbm4b:s4+s3], $0x80, v3, vm0, $0xb8;
	[tilespmem:$0x18080] =	vst v63  }
0x184: {  	_ = 	snop  }
0x185: {  	[tilespmem:s20], [sflag:$0x1] =	stream.indirect_vreg.gather [hbm4b:s5+s3], $0x80, v3, vm0, $0xb8;
	[tilespmem:$0x18080] =	vst v63  }
0x186: {  	v3 =	vld [tilespmem:$0x20];
	_ =	sdelay $0x4  }
0x187: {  	v58 =	vshrl.u32 v3, $0x3  }
0x188: {  	v4 =	vmul.u32 $0x30, v58  }
0x189: {  	v3 =	vand.u32 $0x7, v3  }
0x18a: {  	v3 =	vor.u32 v3, v4  }
0x18b: {  	v4 =	vperm.xlane v3, v0;
	_ =	sdelay $0x1  }
0x18c: {  	v4 =	vadd.s32 v1, v4;
	_ =	sdelay $0x3  }
0x18d: {  	v3 =	vperm.xlane v3, v2  }
0x18e: {  	[tilespmem:s21], [sflag:$0x1] =	stream.indirect_vreg.gather [hbm4b:s2+s3], $0x80, v4, vm0, $0xb8;
	[tilespmem:$0x18080] =	vst v63  }
0x18f: {  	v3 =	vadd.s32 v1, v3  }
0x190: {  	[tilespmem:s22], [sflag:$0x1] =	stream.indirect_vreg.gather [hbm4b:s4+s3], $0x80, v4, vm0, $0xb8;
	[tilespmem:$0x18080] =	vst v63  }
0x191: {  	_ = 	snop  }
0x192: {  	[tilespmem:s23], [sflag:$0x1] =	stream.indirect_vreg.gather [hbm4b:s5+s3], $0x80, v4, vm0, $0xb8;
	[tilespmem:$0x18080] =	vst v63  }
0x193: {  	_ = 	snop  }
0x194: {  	[tilespmem:s24], [sflag:$0x1] =	stream.indirect_vreg.gather [hbm4b:s2+s3], $0x80, v3, vm0, $0xb8;
	[tilespmem:$0x18080] =	vst v63  }
0x195: {  	_ = 	snop  }
0x196: {  	[tilespmem:s25], [sflag:$0x1] =	stream.indirect_vreg.gather [hbm4b:s4+s3], $0x80, v3, vm0, $0xb8;
	[tilespmem:$0x18080] =	vst v63  }
0x197: {  	_ = 	snop  }
0x198: {  	[tilespmem:s26], [sflag:$0x1] =	stream.indirect_vreg.gather [hbm4b:s5+s3], $0x80, v3, vm0, $0xb8;
	[tilespmem:$0x18080] =	vst v63  }
0x199: {  	v3 =	vld [tilespmem:$0x30];
	_ =	sdelay $0x4  }
0x19a: {  	v59 =	vshrl.u32 v3, $0x3  }
0x19b: {  	v4 =	vmul.u32 $0x30, v59  }
0x19c: {  	v3 =	vand.u32 $0x7, v3  }
0x19d: {  	v3 =	vor.u32 v3, v4  }
0x19e: {  	v4 =	vperm.xlane v3, v0;
	_ =	sdelay $0x1  }
0x19f: {  	v4 =	vadd.s32 v1, v4;
	_ =	sdelay $0x3  }
0x1a0: {  	v3 =	vperm.xlane v3, v2  }
0x1a1: {  	[tilespmem:s28], [sflag:$0x1] =	stream.indirect_vreg.gather [hbm4b:s2+s3], $0x80, v4, vm0, $0xb8;
	[tilespmem:$0x18080] =	vst v63  }
0x1a2: {  	v3 =	vadd.s32 v1, v3  }
0x1a3: {  	[tilespmem:s29], [sflag:$0x1] =	stream.indirect_vreg.gather [hbm4b:s4+s3], $0x80, v4, vm0, $0xb8;
	[tilespmem:$0x18080] =	vst v63  }
0x1a4: {  	_ = 	snop  }
0x1a5: {  	[tilespmem:s30], [sflag:$0x1] =	stream.indirect_vreg.gather [hbm4b:s5+s3], $0x80, v4, vm0, $0xb8;
	[tilespmem:$0x18080] =	vst v63  }
0x1a6: {  	_ = 	snop  }
0x1a7: {  	[tilespmem:s31], [sflag:$0x1] =	stream.indirect_vreg.gather [hbm4b:s2+s3], $0x80, v3, vm0, $0xb8;
	[tilespmem:$0x18080] =	vst v63  }
0x1a8: {  	s9 =	simm.s32 $0xB080  }
0x1a9: {  	[tilespmem:s9], [sflag:$0x1] =	stream.indirect_vreg.gather [hbm4b:s4+s3], $0x80, v3, vm0, $0xb8;
	[tilespmem:$0x18080] =	vst v63  }
0x1aa: {  	_ = 	snop  }
0x1ab: {  	[tilespmem:s8], [sflag:$0x1] =	stream.indirect_vreg.gather [hbm4b:s5+s3], $0x80, v3, vm0, $0xb8;
	[tilespmem:$0x18080] =	vst v63  }
0x1ac: {  	v3 =	vld [tilespmem:$0x40];
	_ =	sdelay $0x4  }
0x1ad: {  	v60 =	vshrl.u32 v3, $0x3  }
0x1ae: {  	v4 =	vmul.u32 $0x30, v60  }
0x1af: {  	v3 =	vand.u32 $0x7, v3  }
0x1b0: {  	v3 =	vor.u32 v3, v4  }
0x1b1: {  	v4 =	vperm.xlane v3, v0;
	_ =	sdelay $0x1  }
0x1b2: {  	v4 =	vadd.s32 v1, v4;
	_ =	sdelay $0x3  }
0x1b3: {  	s9 =	simm.s32 $0xC080;
	v3 =	vperm.xlane v3, v2  }
0x1b4: {  	[tilespmem:s9], [sflag:$0x1] =	stream.indirect_vreg.gather [hbm4b:s2+s3], $0x80, v4, vm0, $0xb8;
	[tilespmem:$0x18080] =	vst v63  }
0x1b5: {  	v3 =	vadd.s32 v1, v3;
	s9 =	simm.s32 $0xC880  }
0x1b6: {  	[tilespmem:s9], [sflag:$0x1] =	stream.indirect_vreg.gather [hbm4b:s4+s3], $0x80, v4, vm0, $0xb8;
	[tilespmem:$0x18080] =	vst v63  }
0x1b7: {  	s9 =	simm.s32 $0xD080  }
0x1b8: {  	[tilespmem:s9], [sflag:$0x1] =	stream.indirect_vreg.gather [hbm4b:s5+s3], $0x80, v4, vm0, $0xb8;
	[tilespmem:$0x18080] =	vst v63  }
0x1b9: {  	s9 =	simm.s32 $0xD880  }
0x1ba: {  	[tilespmem:s9], [sflag:$0x1] =	stream.indirect_vreg.gather [hbm4b:s2+s3], $0x80, v3, vm0, $0xb8;
	[tilespmem:$0x18080] =	vst v63  }
0x1bb: {  	s9 =	simm.s32 $0xE080  }
0x1bc: {  	[tilespmem:s9], [sflag:$0x1] =	stream.indirect_vreg.gather [hbm4b:s4+s3], $0x80, v3, vm0, $0xb8;
	[tilespmem:$0x18080] =	vst v63  }
0x1bd: {  	s9 =	simm.s32 $0xE880  }
0x1be: {  	[tilespmem:s9], [sflag:$0x1] =	stream.indirect_vreg.gather [hbm4b:s5+s3], $0x80, v3, vm0, $0xb8;
	[tilespmem:$0x18080] =	vst v63  }
0x1bf: {  	v3 =	vld [tilespmem:$0x50];
	_ =	sdelay $0x4  }
0x1c0: {  	v61 =	vshrl.u32 v3, $0x3  }
0x1c1: {  	v4 =	vmul.u32 $0x30, v61  }
0x1c2: {  	v3 =	vand.u32 $0x7, v3  }
0x1c3: {  	v3 =	vor.u32 v3, v4  }
0x1c4: {  	v4 =	vperm.xlane v3, v0;
	_ =	sdelay $0x1  }
0x1c5: {  	v4 =	vadd.s32 v1, v4;
	_ =	sdelay $0x3  }
0x1c6: {  	s9 =	simm.s32 $0xF080;
	v3 =	vperm.xlane v3, v2  }
0x1c7: {  	[tilespmem:s9], [sflag:$0x1] =	stream.indirect_vreg.gather [hbm4b:s2+s3], $0x80, v4, vm0, $0xb8;
	[tilespmem:$0x18080] =	vst v63  }
0x1c8: {  	v3 =	vadd.s32 v1, v3;
	s9 =	simm.s32 $0xF880  }
0x1c9: {  	[tilespmem:s9], [sflag:$0x1] =	stream.indirect_vreg.gather [hbm4b:s4+s3], $0x80, v4, vm0, $0xb8;
	[tilespmem:$0x18080] =	vst v63  }
0x1ca: {  	s9 =	simm.s32 $0x10080  }
0x1cb: {  	[tilespmem:s9], [sflag:$0x1] =	stream.indirect_vreg.gather [hbm4b:s5+s3], $0x80, v4, vm0, $0xb8;
	[tilespmem:$0x18080] =	vst v63  }
0x1cc: {  	s9 =	simm.s32 $0x10880  }
0x1cd: {  	[tilespmem:s9], [sflag:$0x1] =	stream.indirect_vreg.gather [hbm4b:s2+s3], $0x80, v3, vm0, $0xb8;
	[tilespmem:$0x18080] =	vst v63  }
0x1ce: {  	s9 =	simm.s32 $0x11080  }
0x1cf: {  	[tilespmem:s9], [sflag:$0x1] =	stream.indirect_vreg.gather [hbm4b:s4+s3], $0x80, v3, vm0, $0xb8;
	[tilespmem:$0x18080] =	vst v63  }
0x1d0: {  	s9 =	simm.s32 $0x11880  }
0x1d1: {  	[tilespmem:s9], [sflag:$0x1] =	stream.indirect_vreg.gather [hbm4b:s5+s3], $0x80, v3, vm0, $0xb8;
	[tilespmem:$0x18080] =	vst v63  }
0x1d2: {  	v3 =	vld [tilespmem:$0x60];
	_ =	sdelay $0x4  }
0x1d3: {  	v62 =	vshrl.u32 v3, $0x3  }
0x1d4: {  	v4 =	vmul.u32 $0x30, v62  }
0x1d5: {  	v3 =	vand.u32 $0x7, v3  }
0x1d6: {  	v3 =	vor.u32 v3, v4  }
0x1d7: {  	v4 =	vperm.xlane v3, v0;
	_ =	sdelay $0x1  }
0x1d8: {  	v4 =	vadd.s32 v1, v4;
	_ =	sdelay $0x3  }
0x1d9: {  	s9 =	simm.s32 $0x12080;
	v3 =	vperm.xlane v3, v2  }
0x1da: {  	[tilespmem:s9], [sflag:$0x1] =	stream.indirect_vreg.gather [hbm4b:s2+s3], $0x80, v4, vm0, $0xb8;
	[tilespmem:$0x18080] =	vst v63  }
0x1db: {  	v3 =	vadd.s32 v1, v3;
	s9 =	simm.s32 $0x12880  }
0x1dc: {  	[tilespmem:s9], [sflag:$0x1] =	stream.indirect_vreg.gather [hbm4b:s4+s3], $0x80, v4, vm0, $0xb8;
	[tilespmem:$0x18080] =	vst v63  }
0x1dd: {  	s9 =	simm.s32 $0x13080  }
0x1de: {  	[tilespmem:s9], [sflag:$0x1] =	stream.indirect_vreg.gather [hbm4b:s5+s3], $0x80, v4, vm0, $0xb8;
	[tilespmem:$0x18080] =	vst v63  }
0x1df: {  	s9 =	simm.s32 $0x13880  }
0x1e0: {  	[tilespmem:s9], [sflag:$0x1] =	stream.indirect_vreg.gather [hbm4b:s2+s3], $0x80, v3, vm0, $0xb8;
	[tilespmem:$0x18080] =	vst v63  }
0x1e1: {  	s9 =	simm.s32 $0x14080  }
0x1e2: {  	[tilespmem:s9], [sflag:$0x1] =	stream.indirect_vreg.gather [hbm4b:s4+s3], $0x80, v3, vm0, $0xb8;
	[tilespmem:$0x18080] =	vst v63  }
0x1e3: {  	s9 =	simm.s32 $0x14880  }
0x1e4: {  	[tilespmem:s9], [sflag:$0x1] =	stream.indirect_vreg.gather [hbm4b:s5+s3], $0x80, v3, vm0, $0xb8;
	[tilespmem:$0x18080] =	vst v63  }
0x1e5: {  	v3 =	vld [tilespmem:$0x70];
	_ =	sdelay $0x4  }
0x1e6: {  	v63 =	vshrl.u32 v3, $0x3  }
0x1e7: {  	v4 =	vmul.u32 $0x30, v63  }
0x1e8: {  	v3 =	vand.u32 $0x7, v3  }
0x1e9: {  	v3 =	vor.u32 v3, v4  }
0x1ea: {  	v4 =	vperm.xlane v3, v0;
	_ =	sdelay $0x1  }
0x1eb: {  	v4 =	vadd.s32 v1, v4;
	_ =	sdelay $0x3  }
0x1ec: {  	s9 =	simm.s32 $0x15080;
	v3 =	vperm.xlane v3, v2  }
0x1ed: {  	[tilespmem:s9], [sflag:$0x1] =	stream.indirect_vreg.gather [hbm4b:s2+s3], $0x80, v4, vm0, $0xb8;
	[tilespmem:$0x18080] =	vst v63  }
0x1ee: {  	v3 =	vadd.s32 v1, v3;
	s9 =	simm.s32 $0x15880  }
0x1ef: {  	[tilespmem:s9], [sflag:$0x1] =	stream.indirect_vreg.gather [hbm4b:s4+s3], $0x80, v4, vm0, $0xb8;
	[tilespmem:$0x18080] =	vst v63  }
0x1f0: {  	s9 =	simm.s32 $0x16080  }
0x1f1: {  	[tilespmem:s9], [sflag:$0x1] =	stream.indirect_vreg.gather [hbm4b:s5+s3], $0x80, v4, vm0, $0xb8;
	[tilespmem:$0x18080] =	vst v63  }
0x1f2: {  	s9 =	simm.s32 $0x16880  }
0x1f3: {  	[tilespmem:s9], [sflag:$0x1] =	stream.indirect_vreg.gather [hbm4b:s2+s3], $0x80, v3, vm0, $0xb8;
	[tilespmem:$0x18080] =	vst v63  }
0x1f4: {  	s9 =	simm.s32 $0x17080  }
0x1f5: {  	[tilespmem:s9], [sflag:$0x1] =	stream.indirect_vreg.gather [hbm4b:s4+s3], $0x80, v3, vm0, $0xb8;
	[tilespmem:$0x18080] =	vst v63  }
0x1f6: {  	s9 =	simm.s32 $0x17880  }
0x1f7: {  	[tilespmem:s9], [sflag:$0x1] =	stream.indirect_vreg.gather [hbm4b:s5+s3], $0x80, v3, vm0, $0xb8;
	[tilespmem:$0x18080] =	vst v63  }
0x1f8: {  	_ =	swait.ge [sflag:s0], $0x18000  }
0x1f9: {  	p0 =	sne.s32 s6, $0x1;
	[sflag:s0] =	ssyncset.done $0x0  }
.Ltmp0:
0x1fa: {  	s8 =	rddreg [dreg:$0x8];
	[sflag:s0] =	ssyncadd.s32 $0xFFFE8000;
	(pc) =	sbr.rel @p0 .LBB2_1-.Ltmp0, $4  }
0x1fb: {  	[hbm4b:s8+s3] =	stream.linear.scatter [tilespmem:s1], [sflag:$0x2], $0x18000, $0x38;
	[tilespmem:$0x18080] =	vst v63  }
0x1fc: {  	_ =	swait.ge [sflag:s7], $0x18000  }
0x1fd: {  	[sflag:s7] =	ssyncset.done $0x0  }
0x1fe: {  	s6 =	sadd.s32 $0xFFFFFFFF, s6;
	[sflag:s7] =	ssyncadd.s32 $0xFFFE8000  }
0x1ff: {  	_ =	sfence.sel $0x180000  }
0x200: {  	[bflag:$0x0] =	sbarrier.arrive $0xFFFF  }
0x201: {  	_ =	strace $0x90000047  }
0x202: {  	s0 =	stileid.u32;
	[bflag:$0x2] =	sbarrier.arrive $0xFFFF  }
0x203: {  	p0 =	sne.s32 s0, $0x0;
	s0 =	rddreg [dreg:$0x2]  }
0x204: {  	s0 =	sadd.s32 @!p0 $0x100000, s0  }
0x205: {  	[sflag:s0] =	ssyncadd.tile.s32 @!p0 $0x1;
	_ =	shalt  }
.Lfunc_end2:
_tile_overlayer_lowered:
.L_overlay_start_2:
0x206: {  	(tag) =	ssettag $0x2  }
0x207: {  	s0 =	rddreg [dreg:$0x0];
	s2 =	stileid.u32  }
0x208: {  	s1 =	rddreg [dreg:$0x1];
	p0 =	sne.s32 s2, $0x0  }
0x209: {  	s3 =	rddreg [dreg:$0x2];
	[bflag:$0x3] =	sbarrier.arrive $0xFFFF;
	s2 =	simm.s32 @!p0 $0x1C02  }
0x20a: {  	[timem:s3], [sflag:s2] =	dma.local @!p0 [hbm:s0], s1  }
0x20b: {  	s0 =	simm.s32 @!p0 $0x2  }
0x20c: {  	_ =	swait.ge @!p0 [sflag:s0], s1  }
0x20d: {  	s1 =	ssub.s32 @!p0 $0x0, s1;
	[sflag:s0] =	ssyncset.done @!p0 $0x0  }
0x20e: {  	[sflag:s0] =	ssyncadd.s32 @!p0 s1  }
0x20f: {  	[bflag:$0x3] =	sbarrier.arrive $0xFFFF  }
0x210: {  	_ =	shalt  }

</sc_bundles>
